<compile_context>
chip_gen: v7x
topology: tpu7x:2x2x1
jax: 0.10.2.dev20260603
libtpu: 0.0.44.dev20260713+nightly
codegen_flags: <defaults>
</compile_context>

<pallas_src>
import functools

import jax
import jax.numpy as jnp
import numpy as np
from jax import lax
from jax.experimental import pallas as pl
from jax.experimental.pallas import tpu as pltpu
from jax.experimental.pallas import tpu_sc as plsc

N = 2048
K_NN = 16
EDGE_DIM = 128
NUM_LAYERS = 6
SIGMA = 1.0
N_HEADS = 8
FF_MULT = 4


def _topk_kernel(c_ref, ct_ref, kd_ref, ci_ref):
    cb = c_ref[...]
    ct = ct_ref[...]
    x2b = jnp.sum(cb * cb, axis=1, keepdims=True)
    x2a = jnp.sum(ct * ct, axis=0, keepdims=True)
    dot = jnp.dot(cb, ct, preferred_element_type=jnp.float32)
    d2 = (x2b + x2a) - 2.0 * dot
    dist = jnp.sqrt(jnp.maximum(d2, 1e-12))
    lane = jax.lax.broadcasted_iota(jnp.int32, dist.shape, 1)
    kd_cols = []
    ci_cols = []
    for _ in range(K_NN):
        m = jnp.min(dist, axis=1, keepdims=True)
        hit = dist == m
        idx = jnp.min(jnp.where(hit, lane, N), axis=1,
                      keepdims=True)
        kd_cols.append(m)
        ci_cols.append(idx)
        dist = jnp.where(lane == idx, 3.0e38, dist)
    kd_ref[...] = jnp.concatenate(kd_cols, axis=1)
    ci_ref[...] = jnp.concatenate(ci_cols, axis=1)


_N_WORKERS = 32
_ROWS_PER_W = N // _N_WORKERS


def _sym_body(col_hbm, p_hbm, bdv_hbm, out_hbm, col_v, p_v, out_v, bdv_v):
    wid = lax.axis_index("s") * 2 + lax.axis_index("c")
    pltpu.sync_copy(col_hbm, col_v)
    pltpu.sync_copy(p_hbm, p_v)
    pltpu.sync_copy(bdv_hbm, bdv_v)
    base = wid * _ROWS_PER_W

    def row_body(r_local, carry):
        r = base + r_local
        c_vec = col_v[pl.ds(r * K_NN, K_NN)]
        p_vec = p_v[pl.ds(r * K_NN, K_NN)]
        acc = p_vec + bdv_v[...]
        rvec = jnp.full((K_NN,), 0, jnp.int32) + r
        for j in range(K_NN):
            idx = c_vec * K_NN + j
            cand_c = plsc.load_gather(col_v, [idx])
            cand_p = plsc.load_gather(p_v, [idx])
            acc = acc + jnp.where(cand_c == rvec, cand_p, 0.0)
        out_v[pl.ds(r_local * K_NN, K_NN)] = acc
        return carry

    lax.fori_loop(0, _ROWS_PER_W, row_body, 0)
    pltpu.sync_copy(out_v, out_hbm.at[pl.ds(base * K_NN, _ROWS_PER_W * K_NN)])


def _symmetrize(col_flat, p_flat, bd):
    E = N * K_NN
    bdv = jnp.broadcast_to(bd, (K_NN,)).astype(jnp.float32)
    mesh = plsc.VectorSubcoreMesh(core_axis_name="c", subcore_axis_name="s")
    f = functools.partial(
        pl.kernel,
        out_type=jax.ShapeDtypeStruct((E,), jnp.float32),
        mesh=mesh,
        scratch_types=[
            pltpu.VMEM((E,), jnp.int32),
            pltpu.VMEM((E,), jnp.float32),
            pltpu.VMEM((_ROWS_PER_W * K_NN,), jnp.float32),
            pltpu.VMEM((K_NN,), jnp.float32),
        ],
        compiler_params=pltpu.CompilerParams(needs_layout_passes=False),
    )(_sym_body)
    return f(col_flat, p_flat, bdv)


def _matvec_kernel(h_ref, wd_ref, out_ref):
    out_ref[...] = h_ref[...] @ wd_ref[...]


def _layernorm(x, g, b):
    m = jnp.mean(x, axis=-1, keepdims=True)
    v = jnp.var(x, axis=-1, keepdims=True)
    return (x - m) / jnp.sqrt(v + 1e-5) * g + b


def _knn_topk(coords):
    BR = 256
    cpad = jnp.zeros((N, 8), jnp.float32).at[:, :3].set(coords)
    ct = cpad.T
    kd, ci = pl.pallas_call(
        _topk_kernel,
        grid=(N // BR,),
        in_specs=[
            pl.BlockSpec((BR, 8), lambda i: (i, 0)),
            pl.BlockSpec((8, N), lambda i: (0, 0)),
        ],
        out_specs=[
            pl.BlockSpec((BR, K_NN), lambda i: (i, 0)),
            pl.BlockSpec((BR, K_NN), lambda i: (i, 0)),
        ],
        out_shape=[
            jax.ShapeDtypeStruct((N, K_NN), jnp.float32),
            jax.ShapeDtypeStruct((N, K_NN), jnp.int32),
        ],
    )(cpad, ct)
    return kd, ci


def kernel(coords, Wq, Wk, Wv, Wo, ln1_g, ln1_b, W1, b1, W2, b2, ln2_g, ln2_b, Wd, bd):
    E = N * K_NN
    d = EDGE_DIM
    k_dist, col_idx = _knn_topk(coords)
    col = col_idx.reshape(-1)
    sig = jnp.linspace(0.1 * SIGMA, 4.0 * SIGMA, d)
    vals = jnp.exp(-(k_dist[:, :, None] ** 2) / (2.0 * sig[None, None, :] ** 2))
    h = vals.reshape(E, d)
    dh = d // N_HEADS
    for l in range(NUM_LAYERS):
        hn = _layernorm(h, ln1_g[l], ln1_b[l])
        q = (hn @ Wq[l]).reshape(N, K_NN, N_HEADS, dh)
        k_ = (hn @ Wk[l]).reshape(N, K_NN, N_HEADS, dh)
        v_ = (hn @ Wv[l]).reshape(N, K_NN, N_HEADS, dh)
        att = jnp.einsum('nqhd,nkhd->nhqk', q, k_) / np.sqrt(dh)
        att = jax.nn.softmax(att, axis=-1)
        o = jnp.einsum('nhqk,nkhd->nqhd', att, v_).reshape(E, d)
        h = h + o @ Wo[l]
        hn = _layernorm(h, ln2_g[l], ln2_b[l])
        h = h + jax.nn.gelu(hn @ W1[l] + b1[l]) @ W2[l] + b2[l]
    BLK = 4096
    p = pl.pallas_call(
        _matvec_kernel,
        grid=(E // BLK,),
        in_specs=[
            pl.BlockSpec((BLK, d), lambda i: (i, 0)),
            pl.BlockSpec((d, 1), lambda i: (0, 0)),
        ],
        out_specs=pl.BlockSpec((BLK, 1), lambda i: (i, 0)),
        out_shape=jax.ShapeDtypeStruct((E, 1), jnp.float32),
    )(h, Wd)
    logits = _symmetrize(col, p.reshape(E), bd)
    return logits.reshape(E, 1)

# --- scband reference (transcript-rebuilt; emitter-appended) ---
"""Pipeline reference for scband-sparse-dist-62380105008301 (READ-ONLY COPY).

The authoritative reference and input builder live on the scoring server;
editing this copy changes nothing except your own understanding.
"""

import jax, jax.numpy as jnp
import numpy as np

N = 2048
K_NN = 16
N_OUT = 1
EDGE_DIM = 128
NUM_LAYERS = 6
SIGMA = 1.0
N_HEADS = 8
FF_MULT = 4


def setup_inputs(seed: int = 0) -> dict:
    key = jax.random.key(seed)
    d = EDGE_DIM
    L = NUM_LAYERS
    ks = jax.random.split(key, 16)

    def init(k, shape, scale):
        return jax.random.normal(k, shape, jnp.float32) * scale

    inp = {}
    inp["coords"] = jax.random.uniform(ks[0], (N, 3), dtype=jnp.float32) * 10.0
    s = 1.0 / np.sqrt(d)
    inp["Wq"] = init(ks[1], (L, d, d), s)
    inp["Wk"] = init(ks[2], (L, d, d), s)
    inp["Wv"] = init(ks[3], (L, d, d), s)
    inp["Wo"] = init(ks[4], (L, d, d), s)
    inp["ln1_g"] = jnp.ones((L, d), jnp.float32)
    inp["ln1_b"] = jnp.zeros((L, d), jnp.float32)
    inp["W1"] = init(ks[5], (L, d, FF_MULT * d), s)
    inp["b1"] = jnp.zeros((L, FF_MULT * d), jnp.float32)
    inp["W2"] = init(ks[6], (L, FF_MULT * d, d), 1.0 / np.sqrt(FF_MULT * d))
    inp["b2"] = jnp.zeros((L, d), jnp.float32)
    inp["ln2_g"] = jnp.ones((L, d), jnp.float32)
    inp["ln2_b"] = jnp.zeros((L, d), jnp.float32)
    inp["Wd"] = init(ks[7], (d, N_OUT), s)
    inp["bd"] = jnp.zeros((N_OUT,), jnp.float32)
    return inp


def _layernorm(x, g, b):
    m = jnp.mean(x, axis=-1, keepdims=True)
    v = jnp.var(x, axis=-1, keepdims=True)
    return (x - m) / jnp.sqrt(v + 1e-5) * g + b


def _forward(coords, Wq, Wk, Wv, Wo, ln1_g, ln1_b, W1, b1, W2, b2, ln2_g, ln2_b, Wd, bd):
    d = EDGE_DIM
    # SparseEdgeEmbedding: kNN sparse graph + multi-scale Gaussian RBF distance embedding
    x2 = jnp.sum(coords * coords, axis=-1)
    d2 = x2[:, None] + x2[None, :] - 2.0 * (coords @ coords.T)
    dist = jnp.sqrt(jnp.maximum(d2, 1e-12))
    neg_kd, col_idx = jax.lax.top_k(-dist, K_NN)  # k smallest distances per node
    k_dist = -neg_kd  # [N, K]
    sig = jnp.linspace(0.1 * SIGMA, 4.0 * SIGMA, d)
    vals = jnp.exp(-(k_dist[:, :, None] ** 2) / (2.0 * sig[None, None, :] ** 2))  # [N,K,d]
    row = jnp.repeat(jnp.arange(N), K_NN)
    col = col_idx.reshape(-1)
    h = vals.reshape(N * K_NN, d)
    dh = d // N_HEADS
    # SparseDistStack: pre-LN attention over each node's k-neighborhood + FFN, residual
    for l in range(NUM_LAYERS):
        hn = _layernorm(h, ln1_g[l], ln1_b[l])
        q = (hn @ Wq[l]).reshape(N, K_NN, N_HEADS, dh)
        k_ = (hn @ Wk[l]).reshape(N, K_NN, N_HEADS, dh)
        v_ = (hn @ Wv[l]).reshape(N, K_NN, N_HEADS, dh)
        att = jnp.einsum('nqhd,nkhd->nhqk', q, k_) / np.sqrt(dh)
        att = jax.nn.softmax(att, axis=-1)
        o = jnp.einsum('nhqk,nkhd->nqhd', att, v_).reshape(N * K_NN, d)
        h = h + o @ Wo[l]
        hn = _layernorm(h, ln2_g[l], ln2_b[l])
        h = h + jax.nn.gelu(hn @ W1[l] + b1[l]) @ W2[l] + b2[l]
    # decoder(edge + edge.transpose(1, 2)) on the sparse COO pattern
    keys = row * N + col
    tkeys = col * N + row
    order = jnp.argsort(keys)
    skeys = keys[order]
    pos = jnp.clip(jnp.searchsorted(skeys, tkeys), 0, keys.shape[0] - 1)
    found = (skeys[pos] == tkeys)[:, None]
    h_t = jnp.where(found, h[order][pos], 0.0)
    logits = (h + h_t) @ Wd + bd
    return logits  # sparse values [N*K_NN, n_out] on COO pattern (row, col)


def reference(coords, Wq, Wk, Wv, Wo, ln1_g, ln1_b, W1, b1, W2, b2, ln2_g, ln2_b, Wd, bd):
    return _forward(coords, Wq, Wk, Wv, Wo, ln1_g, ln1_b, W1, b1, W2, b2, ln2_g, ln2_b, Wd, bd)

if __name__ == "__main__":
    import jax
    _d = setup_inputs()
    print(jax.jit(kernel)(*tuple(_d.values())))

</pallas_src>

<mosaic_0001>
#map = affine_map<(d0, d1) -> (0)>
module attributes {stable_mosaic.version = 14 : i64} {
  func.func @_sym_body(%arg0: i32, %arg1: i32, %arg2: memref<32768xi32, #tpu.memory_space<hbm>>, %arg3: memref<32768xf32, #tpu.memory_space<hbm>>, %arg4: memref<16xf32, #tpu.memory_space<hbm>>, %arg5: memref<32768xf32, #tpu.memory_space<hbm>>, %arg6: memref<32768xi32, #tpu.memory_space<vmem>>, %arg7: memref<32768xf32, #tpu.memory_space<vmem>>, %arg8: memref<1024xf32, #tpu.memory_space<vmem>>, %arg9: memref<16xf32, #tpu.memory_space<vmem>>) attributes {dimension_semantics = [#tpu.dimension_semantics<core_parallel>, #tpu.dimension_semantics<subcore_parallel>], iteration_bounds = array<i64: 2, 16>, scalar_prefetch = 0 : i64, scratch_operands = 4 : i64, tpu.core_type = #tpu.core_type<sc_vector_subcore>, window_params = [{transform_indices = #map}, {transform_indices = #map}, {transform_indices = #map}, {transform_indices = #map}]} {
    %mul3A = arith.constant 2 : i32
    %mul3A_0 = arith.muli %arg1, %mul3A : i32
    %add3A = arith.addi %mul3A_0, %arg0 : i32
    "tpu.region"() ({
      %run_scoped3A = tpu.sem_alloc : memref<!tpu.dma_semaphore, #tpu.memory_space<semaphore_mem>>
      tpu.enqueue_dma source(%arg2 : memref<32768xi32, #tpu.memory_space<hbm>>) target(%arg6 : memref<32768xi32, #tpu.memory_space<vmem>>) target_semaphore(%run_scoped3A : memref<!tpu.dma_semaphore, #tpu.memory_space<semaphore_mem>>)
      tpu.wait_dma2 semaphore(%run_scoped3A : memref<!tpu.dma_semaphore, #tpu.memory_space<semaphore_mem>>) src(%arg2 : memref<32768xi32, #tpu.memory_space<hbm>>) dst(%arg6 : memref<32768xi32, #tpu.memory_space<vmem>>)
      tpu.yield
    }) : () -> ()
    "tpu.region"() ({
      %run_scoped3A = tpu.sem_alloc : memref<!tpu.dma_semaphore, #tpu.memory_space<semaphore_mem>>
      tpu.enqueue_dma source(%arg3 : memref<32768xf32, #tpu.memory_space<hbm>>) target(%arg7 : memref<32768xf32, #tpu.memory_space<vmem>>) target_semaphore(%run_scoped3A : memref<!tpu.dma_semaphore, #tpu.memory_space<semaphore_mem>>)
      tpu.wait_dma2 semaphore(%run_scoped3A : memref<!tpu.dma_semaphore, #tpu.memory_space<semaphore_mem>>) src(%arg3 : memref<32768xf32, #tpu.memory_space<hbm>>) dst(%arg7 : memref<32768xf32, #tpu.memory_space<vmem>>)
      tpu.yield
    }) : () -> ()
    "tpu.region"() ({
      %run_scoped3A = tpu.sem_alloc : memref<!tpu.dma_semaphore, #tpu.memory_space<semaphore_mem>>
      tpu.enqueue_dma source(%arg4 : memref<16xf32, #tpu.memory_space<hbm>>) target(%arg9 : memref<16xf32, #tpu.memory_space<vmem>>) target_semaphore(%run_scoped3A : memref<!tpu.dma_semaphore, #tpu.memory_space<semaphore_mem>>)
      tpu.wait_dma2 semaphore(%run_scoped3A : memref<!tpu.dma_semaphore, #tpu.memory_space<semaphore_mem>>) src(%arg4 : memref<16xf32, #tpu.memory_space<hbm>>) dst(%arg9 : memref<16xf32, #tpu.memory_space<vmem>>)
      tpu.yield
    }) : () -> ()
    %mul3A_1 = arith.constant 64 : i32
    %mul3A_2 = arith.muli %add3A, %mul3A_1 : i32
    %scan3A = arith.constant 0 : i32
    %scan3A_3 = arith.constant 0 : i32
    %scan3A_4 = arith.constant 64 : i32
    %scan3A_5 = arith.addi %scan3A_3, %scan3A_4 : i32
    %scan3A_6 = arith.constant 1 : i32
    scf.for %scan3A_10 = %scan3A_3 to %scan3A_5 step %scan3A_6  : i32 {
      %add3A_11 = arith.addi %mul3A_2, %scan3A_10 : i32
      %mul3A_12 = arith.constant 16 : i32
      %mul3A_13 = arith.muli %add3A_11, %mul3A_12 : i32
      %get3A = arith.index_cast %mul3A_13 : i32 to index
      %get3A_14 = tpu.vector_load %arg6[%get3A] {strides = array<i32>} : memref<32768xi32, #tpu.memory_space<vmem>>, vector<16xi32>,
      %mul3A_15 = arith.constant 16 : i32
      %mul3A_16 = arith.muli %add3A_11, %mul3A_15 : i32
      %get3A_17 = arith.index_cast %mul3A_16 : i32 to index
      %get3A_18 = tpu.vector_load %arg7[%get3A_17] {strides = array<i32>} : memref<32768xf32, #tpu.memory_space<vmem>>, vector<16xf32>,
      %get3A_19 = arith.constant 0 : index
      %get3A_20 = tpu.vector_load %arg9[%get3A_19] {strides = array<i32>} : memref<16xf32, #tpu.memory_space<vmem>>, vector<16xf32>,
      %add3A_21 = arith.addf %get3A_18, %get3A_20 : vector<16xf32>
      %broadcast_in_dim3A = arith.constant 0 : i32
      %broadcast_in_dim3A_22 = vector.broadcast %broadcast_in_dim3A : i32 to vector<16xi32>
      %add3A_23 = vector.broadcast %add3A_11 : i32 to vector<16xi32>
      %add3A_24 = arith.addi %broadcast_in_dim3A_22, %add3A_23 : vector<16xi32>
      %mul3A_25 = arith.constant 16 : i32
      %mul3A_26 = vector.broadcast %mul3A_25 : i32 to vector<16xi32>
      %mul3A_27 = arith.muli %get3A_14, %mul3A_26 : vector<16xi32>
      %add3A_28 = arith.constant 0 : i32
      %add3A_29 = vector.broadcast %add3A_28 : i32 to vector<16xi32>
      %add3A_30 = arith.addi %mul3A_27, %add3A_29 : vector<16xi32>
      %gather3A = tpu.vector_load_idx %arg6[%add3A_30] : memref<32768xi32, #tpu.memory_space<vmem>>[vector<16xi32>], vector<16xi32>,
      %gather3A_31 = tpu.vector_load_idx %arg7[%add3A_30] : memref<32768xf32, #tpu.memory_space<vmem>>[vector<16xi32>], vector<16xf32>,
      %eq3A = arith.cmpi eq, %gather3A, %add3A_24 : vector<16xi32>
      %jit3A = arith.constant 0.000000e+00 : f32
      %broadcast_in_dim3A_32 = vector.broadcast %jit3A : f32 to vector<16xf32>
      %select_n3A = arith.select %eq3A, %gather3A_31, %broadcast_in_dim3A_32 : vector<16xi1>, vector<16xf32>
      %add3A_33 = arith.addf %add3A_21, %select_n3A : vector<16xf32>
      %mul3A_34 = arith.constant 16 : i32
      %mul3A_35 = vector.broadcast %mul3A_34 : i32 to vector<16xi32>
      %mul3A_36 = arith.muli %get3A_14, %mul3A_35 : vector<16xi32>
      %add3A_37 = arith.constant 1 : i32
      %add3A_38 = vector.broadcast %add3A_37 : i32 to vector<16xi32>
      %add3A_39 = arith.addi %mul3A_36, %add3A_38 : vector<16xi32>
      %gather3A_40 = tpu.vector_load_idx %arg6[%add3A_39] : memref<32768xi32, #tpu.memory_space<vmem>>[vector<16xi32>], vector<16xi32>,
      %gather3A_41 = tpu.vector_load_idx %arg7[%add3A_39] : memref<32768xf32, #tpu.memory_space<vmem>>[vector<16xi32>], vector<16xf32>,
      %eq3A_42 = arith.cmpi eq, %gather3A_40, %add3A_24 : vector<16xi32>
      %jit3A_43 = arith.constant 0.000000e+00 : f32
      %broadcast_in_dim3A_44 = vector.broadcast %jit3A_43 : f32 to vector<16xf32>
      %select_n3A_45 = arith.select %eq3A_42, %gather3A_41, %broadcast_in_dim3A_44 : vector<16xi1>, vector<16xf32>
      %add3A_46 = arith.addf %add3A_33, %select_n3A_45 : vector<16xf32>
      %mul3A_47 = arith.constant 16 : i32
      %mul3A_48 = vector.broadcast %mul3A_47 : i32 to vector<16xi32>
      %mul3A_49 = arith.muli %get3A_14, %mul3A_48 : vector<16xi32>
      %add3A_50 = arith.constant 2 : i32
      %add3A_51 = vector.broadcast %add3A_50 : i32 to vector<16xi32>
      %add3A_52 = arith.addi %mul3A_49, %add3A_51 : vector<16xi32>
      %gather3A_53 = tpu.vector_load_idx %arg6[%add3A_52] : memref<32768xi32, #tpu.memory_space<vmem>>[vector<16xi32>], vector<16xi32>,
      %gather3A_54 = tpu.vector_load_idx %arg7[%add3A_52] : memref<32768xf32, #tpu.memory_space<vmem>>[vector<16xi32>], vector<16xf32>,
      %eq3A_55 = arith.cmpi eq, %gather3A_53, %add3A_24 : vector<16xi32>
      %jit3A_56 = arith.constant 0.000000e+00 : f32
      %broadcast_in_dim3A_57 = vector.broadcast %jit3A_56 : f32 to vector<16xf32>
      %select_n3A_58 = arith.select %eq3A_55, %gather3A_54, %broadcast_in_dim3A_57 : vector<16xi1>, vector<16xf32>
      %add3A_59 = arith.addf %add3A_46, %select_n3A_58 : vector<16xf32>
      %mul3A_60 = arith.constant 16 : i32
      %mul3A_61 = vector.broadcast %mul3A_60 : i32 to vector<16xi32>
      %mul3A_62 = arith.muli %get3A_14, %mul3A_61 : vector<16xi32>
      %add3A_63 = arith.constant 3 : i32
      %add3A_64 = vector.broadcast %add3A_63 : i32 to vector<16xi32>
      %add3A_65 = arith.addi %mul3A_62, %add3A_64 : vector<16xi32>
      %gather3A_66 = tpu.vector_load_idx %arg6[%add3A_65] : memref<32768xi32, #tpu.memory_space<vmem>>[vector<16xi32>], vector<16xi32>,
      %gather3A_67 = tpu.vector_load_idx %arg7[%add3A_65] : memref<32768xf32, #tpu.memory_space<vmem>>[vector<16xi32>], vector<16xf32>,
      %eq3A_68 = arith.cmpi eq, %gather3A_66, %add3A_24 : vector<16xi32>
      %jit3A_69 = arith.constant 0.000000e+00 : f32
      %broadcast_in_dim3A_70 = vector.broadcast %jit3A_69 : f32 to vector<16xf32>
      %select_n3A_71 = arith.select %eq3A_68, %gather3A_67, %broadcast_in_dim3A_70 : vector<16xi1>, vector<16xf32>
      %add3A_72 = arith.addf %add3A_59, %select_n3A_71 : vector<16xf32>
      %mul3A_73 = arith.constant 16 : i32
      %mul3A_74 = vector.broadcast %mul3A_73 : i32 to vector<16xi32>
      %mul3A_75 = arith.muli %get3A_14, %mul3A_74 : vector<16xi32>
      %add3A_76 = arith.constant 4 : i32
      %add3A_77 = vector.broadcast %add3A_76 : i32 to vector<16xi32>
      %add3A_78 = arith.addi %mul3A_75, %add3A_77 : vector<16xi32>
      %gather3A_79 = tpu.vector_load_idx %arg6[%add3A_78] : memref<32768xi32, #tpu.memory_space<vmem>>[vector<16xi32>], vector<16xi32>,
      %gather3A_80 = tpu.vector_load_idx %arg7[%add3A_78] : memref<32768xf32, #tpu.memory_space<vmem>>[vector<16xi32>], vector<16xf32>,
      %eq3A_81 = arith.cmpi eq, %gather3A_79, %add3A_24 : vector<16xi32>
      %jit3A_82 = arith.constant 0.000000e+00 : f32
      %broadcast_in_dim3A_83 = vector.broadcast %jit3A_82 : f32 to vector<16xf32>
      %select_n3A_84 = arith.select %eq3A_81, %gather3A_80, %broadcast_in_dim3A_83 : vector<16xi1>, vector<16xf32>
      %add3A_85 = arith.addf %add3A_72, %select_n3A_84 : vector<16xf32>
      %mul3A_86 = arith.constant 16 : i32
      %mul3A_87 = vector.broadcast %mul3A_86 : i32 to vector<16xi32>
      %mul3A_88 = arith.muli %get3A_14, %mul3A_87 : vector<16xi32>
      %add3A_89 = arith.constant 5 : i32
      %add3A_90 = vector.broadcast %add3A_89 : i32 to vector<16xi32>
      %add3A_91 = arith.addi %mul3A_88, %add3A_90 : vector<16xi32>
      %gather3A_92 = tpu.vector_load_idx %arg6[%add3A_91] : memref<32768xi32, #tpu.memory_space<vmem>>[vector<16xi32>], vector<16xi32>,
      %gather3A_93 = tpu.vector_load_idx %arg7[%add3A_91] : memref<32768xf32, #tpu.memory_space<vmem>>[vector<16xi32>], vector<16xf32>,
      %eq3A_94 = arith.cmpi eq, %gather3A_92, %add3A_24 : vector<16xi32>
      %jit3A_95 = arith.constant 0.000000e+00 : f32
      %broadcast_in_dim3A_96 = vector.broadcast %jit3A_95 : f32 to vector<16xf32>
      %select_n3A_97 = arith.select %eq3A_94, %gather3A_93, %broadcast_in_dim3A_96 : vector<16xi1>, vector<16xf32>
      %add3A_98 = arith.addf %add3A_85, %select_n3A_97 : vector<16xf32>
      %mul3A_99 = arith.constant 16 : i32
      %mul3A_100 = vector.broadcast %mul3A_99 : i32 to vector<16xi32>
      %mul3A_101 = arith.muli %get3A_14, %mul3A_100 : vector<16xi32>
      %add3A_102 = arith.constant 6 : i32
      %add3A_103 = vector.broadcast %add3A_102 : i32 to vector<16xi32>
      %add3A_104 = arith.addi %mul3A_101, %add3A_103 : vector<16xi32>
      %gather3A_105 = tpu.vector_load_idx %arg6[%add3A_104] : memref<32768xi32, #tpu.memory_space<vmem>>[vector<16xi32>], vector<16xi32>,
      %gather3A_106 = tpu.vector_load_idx %arg7[%add3A_104] : memref<32768xf32, #tpu.memory_space<vmem>>[vector<16xi32>], vector<16xf32>,
      %eq3A_107 = arith.cmpi eq, %gather3A_105, %add3A_24 : vector<16xi32>
      %jit3A_108 = arith.constant 0.000000e+00 : f32
      %broadcast_in_dim3A_109 = vector.broadcast %jit3A_108 : f32 to vector<16xf32>
      %select_n3A_110 = arith.select %eq3A_107, %gather3A_106, %broadcast_in_dim3A_109 : vector<16xi1>, vector<16xf32>
      %add3A_111 = arith.addf %add3A_98, %select_n3A_110 : vector<16xf32>
      %mul3A_112 = arith.constant 16 : i32
      %mul3A_113 = vector.broadcast %mul3A_112 : i32 to vector<16xi32>
      %mul3A_114 = arith.muli %get3A_14, %mul3A_113 : vector<16xi32>
      %add3A_115 = arith.constant 7 : i32
      %add3A_116 = vector.broadcast %add3A_115 : i32 to vector<16xi32>
      %add3A_117 = arith.addi %mul3A_114, %add3A_116 : vector<16xi32>
      %gather3A_118 = tpu.vector_load_idx %arg6[%add3A_117] : memref<32768xi32, #tpu.memory_space<vmem>>[vector<16xi32>], vector<16xi32>,
      %gather3A_119 = tpu.vector_load_idx %arg7[%add3A_117] : memref<32768xf32, #tpu.memory_space<vmem>>[vector<16xi32>], vector<16xf32>,
      %eq3A_120 = arith.cmpi eq, %gather3A_118, %add3A_24 : vector<16xi32>
      %jit3A_121 = arith.constant 0.000000e+00 : f32
      %broadcast_in_dim3A_122 = vector.broadcast %jit3A_121 : f32 to vector<16xf32>
      %select_n3A_123 = arith.select %eq3A_120, %gather3A_119, %broadcast_in_dim3A_122 : vector<16xi1>, vector<16xf32>
      %add3A_124 = arith.addf %add3A_111, %select_n3A_123 : vector<16xf32>
      %mul3A_125 = arith.constant 16 : i32
      %mul3A_126 = vector.broadcast %mul3A_125 : i32 to vector<16xi32>
      %mul3A_127 = arith.muli %get3A_14, %mul3A_126 : vector<16xi32>
      %add3A_128 = arith.constant 8 : i32
      %add3A_129 = vector.broadcast %add3A_128 : i32 to vector<16xi32>
      %add3A_130 = arith.addi %mul3A_127, %add3A_129 : vector<16xi32>
      %gather3A_131 = tpu.vector_load_idx %arg6[%add3A_130] : memref<32768xi32, #tpu.memory_space<vmem>>[vector<16xi32>], vector<16xi32>,
      %gather3A_132 = tpu.vector_load_idx %arg7[%add3A_130] : memref<32768xf32, #tpu.memory_space<vmem>>[vector<16xi32>], vector<16xf32>,
      %eq3A_133 = arith.cmpi eq, %gather3A_131, %add3A_24 : vector<16xi32>
      %jit3A_134 = arith.constant 0.000000e+00 : f32
      %broadcast_in_dim3A_135 = vector.broadcast %jit3A_134 : f32 to vector<16xf32>
      %select_n3A_136 = arith.select %eq3A_133, %gather3A_132, %broadcast_in_dim3A_135 : vector<16xi1>, vector<16xf32>
      %add3A_137 = arith.addf %add3A_124, %select_n3A_136 : vector<16xf32>
      %mul3A_138 = arith.constant 16 : i32
      %mul3A_139 = vector.broadcast %mul3A_138 : i32 to vector<16xi32>
      %mul3A_140 = arith.muli %get3A_14, %mul3A_139 : vector<16xi32>
      %add3A_141 = arith.constant 9 : i32
      %add3A_142 = vector.broadcast %add3A_141 : i32 to vector<16xi32>
      %add3A_143 = arith.addi %mul3A_140, %add3A_142 : vector<16xi32>
      %gather3A_144 = tpu.vector_load_idx %arg6[%add3A_143] : memref<32768xi32, #tpu.memory_space<vmem>>[vector<16xi32>], vector<16xi32>,
      %gather3A_145 = tpu.vector_load_idx %arg7[%add3A_143] : memref<32768xf32, #tpu.memory_space<vmem>>[vector<16xi32>], vector<16xf32>,
      %eq3A_146 = arith.cmpi eq, %gather3A_144, %add3A_24 : vector<16xi32>
      %jit3A_147 = arith.constant 0.000000e+00 : f32
      %broadcast_in_dim3A_148 = vector.broadcast %jit3A_147 : f32 to vector<16xf32>
      %select_n3A_149 = arith.select %eq3A_146, %gather3A_145, %broadcast_in_dim3A_148 : vector<16xi1>, vector<16xf32>
      %add3A_150 = arith.addf %add3A_137, %select_n3A_149 : vector<16xf32>
      %mul3A_151 = arith.constant 16 : i32
      %mul3A_152 = vector.broadcast %mul3A_151 : i32 to vector<16xi32>
      %mul3A_153 = arith.muli %get3A_14, %mul3A_152 : vector<16xi32>
      %add3A_154 = arith.constant 10 : i32
      %add3A_155 = vector.broadcast %add3A_154 : i32 to vector<16xi32>
      %add3A_156 = arith.addi %mul3A_153, %add3A_155 : vector<16xi32>
      %gather3A_157 = tpu.vector_load_idx %arg6[%add3A_156] : memref<32768xi32, #tpu.memory_space<vmem>>[vector<16xi32>], vector<16xi32>,
      %gather3A_158 = tpu.vector_load_idx %arg7[%add3A_156] : memref<32768xf32, #tpu.memory_space<vmem>>[vector<16xi32>], vector<16xf32>,
      %eq3A_159 = arith.cmpi eq, %gather3A_157, %add3A_24 : vector<16xi32>
      %jit3A_160 = arith.constant 0.000000e+00 : f32
      %broadcast_in_dim3A_161 = vector.broadcast %jit3A_160 : f32 to vector<16xf32>
      %select_n3A_162 = arith.select %eq3A_159, %gather3A_158, %broadcast_in_dim3A_161 : vector<16xi1>, vector<16xf32>
      %add3A_163 = arith.addf %add3A_150, %select_n3A_162 : vector<16xf32>
      %mul3A_164 = arith.constant 16 : i32
      %mul3A_165 = vector.broadcast %mul3A_164 : i32 to vector<16xi32>
      %mul3A_166 = arith.muli %get3A_14, %mul3A_165 : vector<16xi32>
      %add3A_167 = arith.constant 11 : i32
      %add3A_168 = vector.broadcast %add3A_167 : i32 to vector<16xi32>
      %add3A_169 = arith.addi %mul3A_166, %add3A_168 : vector<16xi32>
      %gather3A_170 = tpu.vector_load_idx %arg6[%add3A_169] : memref<32768xi32, #tpu.memory_space<vmem>>[vector<16xi32>], vector<16xi32>,
      %gather3A_171 = tpu.vector_load_idx %arg7[%add3A_169] : memref<32768xf32, #tpu.memory_space<vmem>>[vector<16xi32>], vector<16xf32>,
      %eq3A_172 = arith.cmpi eq, %gather3A_170, %add3A_24 : vector<16xi32>
      %jit3A_173 = arith.constant 0.000000e+00 : f32
      %broadcast_in_dim3A_174 = vector.broadcast %jit3A_173 : f32 to vector<16xf32>
      %select_n3A_175 = arith.select %eq3A_172, %gather3A_171, %broadcast_in_dim3A_174 : vector<16xi1>, vector<16xf32>
      %add3A_176 = arith.addf %add3A_163, %select_n3A_175 : vector<16xf32>
      %mul3A_177 = arith.constant 16 : i32
      %mul3A_178 = vector.broadcast %mul3A_177 : i32 to vector<16xi32>
      %mul3A_179 = arith.muli %get3A_14, %mul3A_178 : vector<16xi32>
      %add3A_180 = arith.constant 12 : i32
      %add3A_181 = vector.broadcast %add3A_180 : i32 to vector<16xi32>
      %add3A_182 = arith.addi %mul3A_179, %add3A_181 : vector<16xi32>
      %gather3A_183 = tpu.vector_load_idx %arg6[%add3A_182] : memref<32768xi32, #tpu.memory_space<vmem>>[vector<16xi32>], vector<16xi32>,
      %gather3A_184 = tpu.vector_load_idx %arg7[%add3A_182] : memref<32768xf32, #tpu.memory_space<vmem>>[vector<16xi32>], vector<16xf32>,
      %eq3A_185 = arith.cmpi eq, %gather3A_183, %add3A_24 : vector<16xi32>
      %jit3A_186 = arith.constant 0.000000e+00 : f32
      %broadcast_in_dim3A_187 = vector.broadcast %jit3A_186 : f32 to vector<16xf32>
      %select_n3A_188 = arith.select %eq3A_185, %gather3A_184, %broadcast_in_dim3A_187 : vector<16xi1>, vector<16xf32>
      %add3A_189 = arith.addf %add3A_176, %select_n3A_188 : vector<16xf32>
      %mul3A_190 = arith.constant 16 : i32
      %mul3A_191 = vector.broadcast %mul3A_190 : i32 to vector<16xi32>
      %mul3A_192 = arith.muli %get3A_14, %mul3A_191 : vector<16xi32>
      %add3A_193 = arith.constant 13 : i32
      %add3A_194 = vector.broadcast %add3A_193 : i32 to vector<16xi32>
      %add3A_195 = arith.addi %mul3A_192, %add3A_194 : vector<16xi32>
      %gather3A_196 = tpu.vector_load_idx %arg6[%add3A_195] : memref<32768xi32, #tpu.memory_space<vmem>>[vector<16xi32>], vector<16xi32>,
      %gather3A_197 = tpu.vector_load_idx %arg7[%add3A_195] : memref<32768xf32, #tpu.memory_space<vmem>>[vector<16xi32>], vector<16xf32>,
      %eq3A_198 = arith.cmpi eq, %gather3A_196, %add3A_24 : vector<16xi32>
      %jit3A_199 = arith.constant 0.000000e+00 : f32
      %broadcast_in_dim3A_200 = vector.broadcast %jit3A_199 : f32 to vector<16xf32>
      %select_n3A_201 = arith.select %eq3A_198, %gather3A_197, %broadcast_in_dim3A_200 : vector<16xi1>, vector<16xf32>
      %add3A_202 = arith.addf %add3A_189, %select_n3A_201 : vector<16xf32>
      %mul3A_203 = arith.constant 16 : i32
      %mul3A_204 = vector.broadcast %mul3A_203 : i32 to vector<16xi32>
      %mul3A_205 = arith.muli %get3A_14, %mul3A_204 : vector<16xi32>
      %add3A_206 = arith.constant 14 : i32
      %add3A_207 = vector.broadcast %add3A_206 : i32 to vector<16xi32>
      %add3A_208 = arith.addi %mul3A_205, %add3A_207 : vector<16xi32>
      %gather3A_209 = tpu.vector_load_idx %arg6[%add3A_208] : memref<32768xi32, #tpu.memory_space<vmem>>[vector<16xi32>], vector<16xi32>,
      %gather3A_210 = tpu.vector_load_idx %arg7[%add3A_208] : memref<32768xf32, #tpu.memory_space<vmem>>[vector<16xi32>], vector<16xf32>,
      %eq3A_211 = arith.cmpi eq, %gather3A_209, %add3A_24 : vector<16xi32>
      %jit3A_212 = arith.constant 0.000000e+00 : f32
      %broadcast_in_dim3A_213 = vector.broadcast %jit3A_212 : f32 to vector<16xf32>
      %select_n3A_214 = arith.select %eq3A_211, %gather3A_210, %broadcast_in_dim3A_213 : vector<16xi1>, vector<16xf32>
      %add3A_215 = arith.addf %add3A_202, %select_n3A_214 : vector<16xf32>
      %mul3A_216 = arith.constant 16 : i32
      %mul3A_217 = vector.broadcast %mul3A_216 : i32 to vector<16xi32>
      %mul3A_218 = arith.muli %get3A_14, %mul3A_217 : vector<16xi32>
      %add3A_219 = arith.constant 15 : i32
      %add3A_220 = vector.broadcast %add3A_219 : i32 to vector<16xi32>
      %add3A_221 = arith.addi %mul3A_218, %add3A_220 : vector<16xi32>
      %gather3A_222 = tpu.vector_load_idx %arg6[%add3A_221] : memref<32768xi32, #tpu.memory_space<vmem>>[vector<16xi32>], vector<16xi32>,
      %gather3A_223 = tpu.vector_load_idx %arg7[%add3A_221] : memref<32768xf32, #tpu.memory_space<vmem>>[vector<16xi32>], vector<16xf32>,
      %eq3A_224 = arith.cmpi eq, %gather3A_222, %add3A_24 : vector<16xi32>
      %jit3A_225 = arith.constant 0.000000e+00 : f32
      %broadcast_in_dim3A_226 = vector.broadcast %jit3A_225 : f32 to vector<16xf32>
      %select_n3A_227 = arith.select %eq3A_224, %gather3A_223, %broadcast_in_dim3A_226 : vector<16xi1>, vector<16xf32>
      %add3A_228 = arith.addf %add3A_215, %select_n3A_227 : vector<16xf32>
      %mul3A_229 = arith.constant 16 : i32
      %mul3A_230 = arith.muli %scan3A_10, %mul3A_229 : i32
      %swap3A = arith.index_cast %mul3A_230 : i32 to index
      %swap3A_231 = tpu.vector_load %arg8[%swap3A] {strides = array<i32>} : memref<1024xf32, #tpu.memory_space<vmem>>, vector<16xf32>,
      tpu.vector_store %arg8[%swap3A], %add3A_228 {strides = array<i32>} : memref<1024xf32, #tpu.memory_space<vmem>>, vector<16xf32>,
    }
    %scan3A_7 = arith.constant 64 : i32
    %mul3A_8 = arith.constant 16 : i32
    %mul3A_9 = arith.muli %mul3A_2, %mul3A_8 : i32
    "tpu.region"() ({
      %run_scoped3A = tpu.sem_alloc : memref<!tpu.dma_semaphore, #tpu.memory_space<semaphore_mem>>
      %dma_start3A = tpu.memref_slice %arg5[%mul3A_9] : memref<32768xf32, #tpu.memory_space<hbm>> -> memref<1024xf32, #tpu.memory_space<hbm>>
      %dma_start3A_10 = tpu.memref_slice %arg5[%mul3A_9] : memref<32768xf32, #tpu.memory_space<hbm>> -> memref<1024xf32, #tpu.memory_space<hbm>>
      tpu.enqueue_dma source(%arg8 : memref<1024xf32, #tpu.memory_space<vmem>>) target(%dma_start3A_10 : memref<1024xf32, #tpu.memory_space<hbm>>) target_semaphore(%run_scoped3A : memref<!tpu.dma_semaphore, #tpu.memory_space<semaphore_mem>>)
      %dma_wait3A = tpu.memref_slice %arg5[%mul3A_9] : memref<32768xf32, #tpu.memory_space<hbm>> -> memref<1024xf32, #tpu.memory_space<hbm>>
      %dma_wait3A_11 = tpu.memref_slice %arg5[%mul3A_9] : memref<32768xf32, #tpu.memory_space<hbm>> -> memref<1024xf32, #tpu.memory_space<hbm>>
      tpu.wait_dma2 semaphore(%run_scoped3A : memref<!tpu.dma_semaphore, #tpu.memory_space<semaphore_mem>>) src(%arg8 : memref<1024xf32, #tpu.memory_space<vmem>>) dst(%dma_wait3A_11 : memref<1024xf32, #tpu.memory_space<hbm>>)
      tpu.yield
    }) : () -> ()
    return
  }
}

module attributes {stable_mosaic.version = 14 : i64} {
  func.func @_topk_kernel(%arg0: i32, %arg1: memref<256x8xf32, #tpu.memory_space<vmem>>, %arg2: memref<8x2048xf32, #tpu.memory_space<vmem>>, %arg3: memref<256x16xf32, #tpu.memory_space<vmem>>, %arg4: memref<256x16xi32, #tpu.memory_space<vmem>>) attributes {dimension_semantics = [#tpu.dimension_semantics<arbitrary>], iteration_bounds = array<i64: 8>, scalar_prefetch = 0 : i64, scratch_operands = 0 : i64, tpu.core_type = #tpu.core_type<tc>, window_params = [{transform_indices = @transform_0, window_bounds = array<i64: 256, 8>}, {pipeline_mode = #tpu.pipeline_mode<synchronous>, transform_indices = @transform_1, window_bounds = array<i64: 8, 2048>}, {transform_indices = @transform_2, window_bounds = array<i64: 256, 16>}, {transform_indices = @transform_3, window_bounds = array<i64: 256, 16>}]} {
    %get3A = arith.constant 0 : index
    %get3A_0 = arith.constant 0 : index
    %get3A_1 = vector.load %arg1[%get3A, %get3A_0] : memref<256x8xf32, #tpu.memory_space<vmem>>, vector<256x8xf32>
    %get3A_2 = arith.constant 0 : index
    %get3A_3 = arith.constant 0 : index
    %get3A_4 = vector.load %arg2[%get3A_2, %get3A_3] : memref<8x2048xf32, #tpu.memory_space<vmem>>, vector<8x2048xf32>
    %mul3A = arith.mulf %get3A_1, %get3A_1 : vector<256x8xf32>
    %reduce_sum3A = arith.constant dense<0.000000e+00> : vector<256xf32>
    %reduce_sum3A_5 = vector.multi_reduction <add>, %mul3A, %reduce_sum3A [1] : vector<256x8xf32> to vector<256xf32>
    %broadcast_in_dim3A = vector.shape_cast %reduce_sum3A_5 : vector<256xf32> to vector<256x1xf32>
    %mul3A_6 = arith.mulf %get3A_4, %get3A_4 : vector<8x2048xf32>
    %reduce_sum3A_7 = arith.constant dense<0.000000e+00> : vector<2048xf32>
    %reduce_sum3A_8 = vector.multi_reduction <add>, %mul3A_6, %reduce_sum3A_7 [0] : vector<8x2048xf32> to vector<2048xf32>
    %broadcast_in_dim3A_9 = vector.shape_cast %reduce_sum3A_8 : vector<2048xf32> to vector<1x2048xf32>
    %dot_general3A = arith.constant dense<0.000000e+00> : vector<256x2048xf32>
    %dot_general3A_10 = tpu.matmul %get3A_1, %get3A_4, %dot_general3A {dimension_numbers = #tpu.dot_dimension_numbers<[1], [0], [0], [1], [0, 0, 1, 1], [], []>, transpose_lhs_hint = false} : vector<256x8xf32>, vector<8x2048xf32>, vector<256x2048xf32> -> vector<256x2048xf32>
    %add3A = vector.broadcast %broadcast_in_dim3A : vector<256x1xf32> to vector<256x2048xf32>
    %add3A_11 = vector.broadcast %broadcast_in_dim3A_9 : vector<1x2048xf32> to vector<256x2048xf32>
    %add3A_12 = arith.addf %add3A, %add3A_11 : vector<256x2048xf32>
    %mul3A_13 = arith.constant 2.000000e+00 : f32
    %mul3A_14 = vector.broadcast %mul3A_13 : f32 to vector<256x2048xf32>
    %mul3A_15 = arith.mulf %mul3A_14, %dot_general3A_10 : vector<256x2048xf32>
    %sub3A = arith.subf %add3A_12, %mul3A_15 : vector<256x2048xf32>
    %max3A = arith.constant 9.99999996E-13 : f32
    %max3A_16 = vector.broadcast %max3A : f32 to vector<256x2048xf32>
    %max3A_17 = arith.maximumf %sub3A, %max3A_16 : vector<256x2048xf32>
    %sqrt3A = math.sqrt %max3A_17 : vector<256x2048xf32>
    %iota3A = tpu.iota {dimensions = array<i32: 1>} : vector<256x2048xi32>
    %reduce_min3A = arith.constant dense<0x7F800000> : vector<256xf32>
    %reduce_min3A_18 = vector.multi_reduction <minimumf>, %sqrt3A, %reduce_min3A [1] : vector<256x2048xf32> to vector<256xf32>
    %broadcast_in_dim3A_19 = vector.shape_cast %reduce_min3A_18 : vector<256xf32> to vector<256x1xf32>
    %eq3A = vector.broadcast %broadcast_in_dim3A_19 : vector<256x1xf32> to vector<256x2048xf32>
    %eq3A_20 = arith.cmpf oeq, %sqrt3A, %eq3A : vector<256x2048xf32>
    %jit3A = arith.constant 2048 : i32
    %broadcast_in_dim3A_21 = vector.broadcast %jit3A : i32 to vector<256x2048xi32>
    %select_n3A = arith.select %eq3A_20, %iota3A, %broadcast_in_dim3A_21 : vector<256x2048xi1>, vector<256x2048xi32>
    %reduce_min3A_22 = arith.constant dense<2147483647> : vector<256xi32>
    %reduce_min3A_23 = vector.multi_reduction <minsi>, %select_n3A, %reduce_min3A_22 [1] : vector<256x2048xi32> to vector<256xi32>
    %broadcast_in_dim3A_24 = vector.shape_cast %reduce_min3A_23 : vector<256xi32> to vector<256x1xi32>
    %eq3A_25 = vector.broadcast %broadcast_in_dim3A_24 : vector<256x1xi32> to vector<256x2048xi32>
    %eq3A_26 = arith.cmpi eq, %iota3A, %eq3A_25 : vector<256x2048xi32>
    %jit3A_27 = arith.constant 3.000000e+38 : f32
    %broadcast_in_dim3A_28 = vector.broadcast %jit3A_27 : f32 to vector<256x2048xf32>
    %select_n3A_29 = arith.select %eq3A_26, %broadcast_in_dim3A_28, %sqrt3A : vector<256x2048xi1>, vector<256x2048xf32>
    %reduce_min3A_30 = arith.constant dense<0x7F800000> : vector<256xf32>
    %reduce_min3A_31 = vector.multi_reduction <minimumf>, %select_n3A_29, %reduce_min3A_30 [1] : vector<256x2048xf32> to vector<256xf32>
    %broadcast_in_dim3A_32 = vector.shape_cast %reduce_min3A_31 : vector<256xf32> to vector<256x1xf32>
    %eq3A_33 = vector.broadcast %broadcast_in_dim3A_32 : vector<256x1xf32> to vector<256x2048xf32>
    %eq3A_34 = arith.cmpf oeq, %select_n3A_29, %eq3A_33 : vector<256x2048xf32>
    %jit3A_35 = arith.constant 2048 : i32
    %broadcast_in_dim3A_36 = vector.broadcast %jit3A_35 : i32 to vector<256x2048xi32>
    %select_n3A_37 = arith.select %eq3A_34, %iota3A, %broadcast_in_dim3A_36 : vector<256x2048xi1>, vector<256x2048xi32>
    %reduce_min3A_38 = arith.constant dense<2147483647> : vector<256xi32>
    %reduce_min3A_39 = vector.multi_reduction <minsi>, %select_n3A_37, %reduce_min3A_38 [1] : vector<256x2048xi32> to vector<256xi32>
    %broadcast_in_dim3A_40 = vector.shape_cast %reduce_min3A_39 : vector<256xi32> to vector<256x1xi32>
    %eq3A_41 = vector.broadcast %broadcast_in_dim3A_40 : vector<256x1xi32> to vector<256x2048xi32>
    %eq3A_42 = arith.cmpi eq, %iota3A, %eq3A_41 : vector<256x2048xi32>
    %jit3A_43 = arith.constant 3.000000e+38 : f32
    %broadcast_in_dim3A_44 = vector.broadcast %jit3A_43 : f32 to vector<256x2048xf32>
    %select_n3A_45 = arith.select %eq3A_42, %broadcast_in_dim3A_44, %select_n3A_29 : vector<256x2048xi1>, vector<256x2048xf32>
    %reduce_min3A_46 = arith.constant dense<0x7F800000> : vector<256xf32>
    %reduce_min3A_47 = vector.multi_reduction <minimumf>, %select_n3A_45, %reduce_min3A_46 [1] : vector<256x2048xf32> to vector<256xf32>
    %broadcast_in_dim3A_48 = vector.shape_cast %reduce_min3A_47 : vector<256xf32> to vector<256x1xf32>
    %eq3A_49 = vector.broadcast %broadcast_in_dim3A_48 : vector<256x1xf32> to vector<256x2048xf32>
    %eq3A_50 = arith.cmpf oeq, %select_n3A_45, %eq3A_49 : vector<256x2048xf32>
    %jit3A_51 = arith.constant 2048 : i32
    %broadcast_in_dim3A_52 = vector.broadcast %jit3A_51 : i32 to vector<256x2048xi32>
    %select_n3A_53 = arith.select %eq3A_50, %iota3A, %broadcast_in_dim3A_52 : vector<256x2048xi1>, vector<256x2048xi32>
    %reduce_min3A_54 = arith.constant dense<2147483647> : vector<256xi32>
    %reduce_min3A_55 = vector.multi_reduction <minsi>, %select_n3A_53, %reduce_min3A_54 [1] : vector<256x2048xi32> to vector<256xi32>
    %broadcast_in_dim3A_56 = vector.shape_cast %reduce_min3A_55 : vector<256xi32> to vector<256x1xi32>
    %eq3A_57 = vector.broadcast %broadcast_in_dim3A_56 : vector<256x1xi32> to vector<256x2048xi32>
    %eq3A_58 = arith.cmpi eq, %iota3A, %eq3A_57 : vector<256x2048xi32>
    %jit3A_59 = arith.constant 3.000000e+38 : f32
    %broadcast_in_dim3A_60 = vector.broadcast %jit3A_59 : f32 to vector<256x2048xf32>
    %select_n3A_61 = arith.select %eq3A_58, %broadcast_in_dim3A_60, %select_n3A_45 : vector<256x2048xi1>, vector<256x2048xf32>
    %reduce_min3A_62 = arith.constant dense<0x7F800000> : vector<256xf32>
    %reduce_min3A_63 = vector.multi_reduction <minimumf>, %select_n3A_61, %reduce_min3A_62 [1] : vector<256x2048xf32> to vector<256xf32>
    %broadcast_in_dim3A_64 = vector.shape_cast %reduce_min3A_63 : vector<256xf32> to vector<256x1xf32>
    %eq3A_65 = vector.broadcast %broadcast_in_dim3A_64 : vector<256x1xf32> to vector<256x2048xf32>
    %eq3A_66 = arith.cmpf oeq, %select_n3A_61, %eq3A_65 : vector<256x2048xf32>
    %jit3A_67 = arith.constant 2048 : i32
    %broadcast_in_dim3A_68 = vector.broadcast %jit3A_67 : i32 to vector<256x2048xi32>
    %select_n3A_69 = arith.select %eq3A_66, %iota3A, %broadcast_in_dim3A_68 : vector<256x2048xi1>, vector<256x2048xi32>
    %reduce_min3A_70 = arith.constant dense<2147483647> : vector<256xi32>
    %reduce_min3A_71 = vector.multi_reduction <minsi>, %select_n3A_69, %reduce_min3A_70 [1] : vector<256x2048xi32> to vector<256xi32>
    %broadcast_in_dim3A_72 = vector.shape_cast %reduce_min3A_71 : vector<256xi32> to vector<256x1xi32>
    %eq3A_73 = vector.broadcast %broadcast_in_dim3A_72 : vector<256x1xi32> to vector<256x2048xi32>
    %eq3A_74 = arith.cmpi eq, %iota3A, %eq3A_73 : vector<256x2048xi32>
    %jit3A_75 = arith.constant 3.000000e+38 : f32
    %broadcast_in_dim3A_76 = vector.broadcast %jit3A_75 : f32 to vector<256x2048xf32>
    %select_n3A_77 = arith.select %eq3A_74, %broadcast_in_dim3A_76, %select_n3A_61 : vector<256x2048xi1>, vector<256x2048xf32>
    %reduce_min3A_78 = arith.constant dense<0x7F800000> : vector<256xf32>
    %reduce_min3A_79 = vector.multi_reduction <minimumf>, %select_n3A_77, %reduce_min3A_78 [1] : vector<256x2048xf32> to vector<256xf32>
    %broadcast_in_dim3A_80 = vector.shape_cast %reduce_min3A_79 : vector<256xf32> to vector<256x1xf32>
    %eq3A_81 = vector.broadcast %broadcast_in_dim3A_80 : vector<256x1xf32> to vector<256x2048xf32>
    %eq3A_82 = arith.cmpf oeq, %select_n3A_77, %eq3A_81 : vector<256x2048xf32>
    %jit3A_83 = arith.constant 2048 : i32
    %broadcast_in_dim3A_84 = vector.broadcast %jit3A_83 : i32 to vector<256x2048xi32>
    %select_n3A_85 = arith.select %eq3A_82, %iota3A, %broadcast_in_dim3A_84 : vector<256x2048xi1>, vector<256x2048xi32>
    %reduce_min3A_86 = arith.constant dense<2147483647> : vector<256xi32>
    %reduce_min3A_87 = vector.multi_reduction <minsi>, %select_n3A_85, %reduce_min3A_86 [1] : vector<256x2048xi32> to vector<256xi32>
    %broadcast_in_dim3A_88 = vector.shape_cast %reduce_min3A_87 : vector<256xi32> to vector<256x1xi32>
    %eq3A_89 = vector.broadcast %broadcast_in_dim3A_88 : vector<256x1xi32> to vector<256x2048xi32>
    %eq3A_90 = arith.cmpi eq, %iota3A, %eq3A_89 : vector<256x2048xi32>
    %jit3A_91 = arith.constant 3.000000e+38 : f32
    %broadcast_in_dim3A_92 = vector.broadcast %jit3A_91 : f32 to vector<256x2048xf32>
    %select_n3A_93 = arith.select %eq3A_90, %broadcast_in_dim3A_92, %select_n3A_77 : vector<256x2048xi1>, vector<256x2048xf32>
    %reduce_min3A_94 = arith.constant dense<0x7F800000> : vector<256xf32>
    %reduce_min3A_95 = vector.multi_reduction <minimumf>, %select_n3A_93, %reduce_min3A_94 [1] : vector<256x2048xf32> to vector<256xf32>
    %broadcast_in_dim3A_96 = vector.shape_cast %reduce_min3A_95 : vector<256xf32> to vector<256x1xf32>
    %eq3A_97 = vector.broadcast %broadcast_in_dim3A_96 : vector<256x1xf32> to vector<256x2048xf32>
    %eq3A_98 = arith.cmpf oeq, %select_n3A_93, %eq3A_97 : vector<256x2048xf32>
    %jit3A_99 = arith.constant 2048 : i32
    %broadcast_in_dim3A_100 = vector.broadcast %jit3A_99 : i32 to vector<256x2048xi32>
    %select_n3A_101 = arith.select %eq3A_98, %iota3A, %broadcast_in_dim3A_100 : vector<256x2048xi1>, vector<256x2048xi32>
    %reduce_min3A_102 = arith.constant dense<2147483647> : vector<256xi32>
    %reduce_min3A_103 = vector.multi_reduction <minsi>, %select_n3A_101, %reduce_min3A_102 [1] : vector<256x2048xi32> to vector<256xi32>
    %broadcast_in_dim3A_104 = vector.shape_cast %reduce_min3A_103 : vector<256xi32> to vector<256x1xi32>
    %eq3A_105 = vector.broadcast %broadcast_in_dim3A_104 : vector<256x1xi32> to vector<256x2048xi32>
    %eq3A_106 = arith.cmpi eq, %iota3A, %eq3A_105 : vector<256x2048xi32>
    %jit3A_107 = arith.constant 3.000000e+38 : f32
    %broadcast_in_dim3A_108 = vector.broadcast %jit3A_107 : f32 to vector<256x2048xf32>
    %select_n3A_109 = arith.select %eq3A_106, %broadcast_in_dim3A_108, %select_n3A_93 : vector<256x2048xi1>, vector<256x2048xf32>
    %reduce_min3A_110 = arith.constant dense<0x7F800000> : vector<256xf32>
    %reduce_min3A_111 = vector.multi_reduction <minimumf>, %select_n3A_109, %reduce_min3A_110 [1] : vector<256x2048xf32> to vector<256xf32>
    %broadcast_in_dim3A_112 = vector.shape_cast %reduce_min3A_111 : vector<256xf32> to vector<256x1xf32>
    %eq3A_113 = vector.broadcast %broadcast_in_dim3A_112 : vector<256x1xf32> to vector<256x2048xf32>
    %eq3A_114 = arith.cmpf oeq, %select_n3A_109, %eq3A_113 : vector<256x2048xf32>
    %jit3A_115 = arith.constant 2048 : i32
    %broadcast_in_dim3A_116 = vector.broadcast %jit3A_115 : i32 to vector<256x2048xi32>
    %select_n3A_117 = arith.select %eq3A_114, %iota3A, %broadcast_in_dim3A_116 : vector<256x2048xi1>, vector<256x2048xi32>
    %reduce_min3A_118 = arith.constant dense<2147483647> : vector<256xi32>
    %reduce_min3A_119 = vector.multi_reduction <minsi>, %select_n3A_117, %reduce_min3A_118 [1] : vector<256x2048xi32> to vector<256xi32>
    %broadcast_in_dim3A_120 = vector.shape_cast %reduce_min3A_119 : vector<256xi32> to vector<256x1xi32>
    %eq3A_121 = vector.broadcast %broadcast_in_dim3A_120 : vector<256x1xi32> to vector<256x2048xi32>
    %eq3A_122 = arith.cmpi eq, %iota3A, %eq3A_121 : vector<256x2048xi32>
    %jit3A_123 = arith.constant 3.000000e+38 : f32
    %broadcast_in_dim3A_124 = vector.broadcast %jit3A_123 : f32 to vector<256x2048xf32>
    %select_n3A_125 = arith.select %eq3A_122, %broadcast_in_dim3A_124, %select_n3A_109 : vector<256x2048xi1>, vector<256x2048xf32>
    %reduce_min3A_126 = arith.constant dense<0x7F800000> : vector<256xf32>
    %reduce_min3A_127 = vector.multi_reduction <minimumf>, %select_n3A_125, %reduce_min3A_126 [1] : vector<256x2048xf32> to vector<256xf32>
    %broadcast_in_dim3A_128 = vector.shape_cast %reduce_min3A_127 : vector<256xf32> to vector<256x1xf32>
    %eq3A_129 = vector.broadcast %broadcast_in_dim3A_128 : vector<256x1xf32> to vector<256x2048xf32>
    %eq3A_130 = arith.cmpf oeq, %select_n3A_125, %eq3A_129 : vector<256x2048xf32>
    %jit3A_131 = arith.constant 2048 : i32
    %broadcast_in_dim3A_132 = vector.broadcast %jit3A_131 : i32 to vector<256x2048xi32>
    %select_n3A_133 = arith.select %eq3A_130, %iota3A, %broadcast_in_dim3A_132 : vector<256x2048xi1>, vector<256x2048xi32>
    %reduce_min3A_134 = arith.constant dense<2147483647> : vector<256xi32>
    %reduce_min3A_135 = vector.multi_reduction <minsi>, %select_n3A_133, %reduce_min3A_134 [1] : vector<256x2048xi32> to vector<256xi32>
    %broadcast_in_dim3A_136 = vector.shape_cast %reduce_min3A_135 : vector<256xi32> to vector<256x1xi32>
    %eq3A_137 = vector.broadcast %broadcast_in_dim3A_136 : vector<256x1xi32> to vector<256x2048xi32>
    %eq3A_138 = arith.cmpi eq, %iota3A, %eq3A_137 : vector<256x2048xi32>
    %jit3A_139 = arith.constant 3.000000e+38 : f32
    %broadcast_in_dim3A_140 = vector.broadcast %jit3A_139 : f32 to vector<256x2048xf32>
    %select_n3A_141 = arith.select %eq3A_138, %broadcast_in_dim3A_140, %select_n3A_125 : vector<256x2048xi1>, vector<256x2048xf32>
    %reduce_min3A_142 = arith.constant dense<0x7F800000> : vector<256xf32>
    %reduce_min3A_143 = vector.multi_reduction <minimumf>, %select_n3A_141, %reduce_min3A_142 [1] : vector<256x2048xf32> to vector<256xf32>
    %broadcast_in_dim3A_144 = vector.shape_cast %reduce_min3A_143 : vector<256xf32> to vector<256x1xf32>
    %eq3A_145 = vector.broadcast %broadcast_in_dim3A_144 : vector<256x1xf32> to vector<256x2048xf32>
    %eq3A_146 = arith.cmpf oeq, %select_n3A_141, %eq3A_145 : vector<256x2048xf32>
    %jit3A_147 = arith.constant 2048 : i32
    %broadcast_in_dim3A_148 = vector.broadcast %jit3A_147 : i32 to vector<256x2048xi32>
    %select_n3A_149 = arith.select %eq3A_146, %iota3A, %broadcast_in_dim3A_148 : vector<256x2048xi1>, vector<256x2048xi32>
    %reduce_min3A_150 = arith.constant dense<2147483647> : vector<256xi32>
    %reduce_min3A_151 = vector.multi_reduction <minsi>, %select_n3A_149, %reduce_min3A_150 [1] : vector<256x2048xi32> to vector<256xi32>
    %broadcast_in_dim3A_152 = vector.shape_cast %reduce_min3A_151 : vector<256xi32> to vector<256x1xi32>
    %eq3A_153 = vector.broadcast %broadcast_in_dim3A_152 : vector<256x1xi32> to vector<256x2048xi32>
    %eq3A_154 = arith.cmpi eq, %iota3A, %eq3A_153 : vector<256x2048xi32>
    %jit3A_155 = arith.constant 3.000000e+38 : f32
    %broadcast_in_dim3A_156 = vector.broadcast %jit3A_155 : f32 to vector<256x2048xf32>
    %select_n3A_157 = arith.select %eq3A_154, %broadcast_in_dim3A_156, %select_n3A_141 : vector<256x2048xi1>, vector<256x2048xf32>
    %reduce_min3A_158 = arith.constant dense<0x7F800000> : vector<256xf32>
    %reduce_min3A_159 = vector.multi_reduction <minimumf>, %select_n3A_157, %reduce_min3A_158 [1] : vector<256x2048xf32> to vector<256xf32>
    %broadcast_in_dim3A_160 = vector.shape_cast %reduce_min3A_159 : vector<256xf32> to vector<256x1xf32>
    %eq3A_161 = vector.broadcast %broadcast_in_dim3A_160 : vector<256x1xf32> to vector<256x2048xf32>
    %eq3A_162 = arith.cmpf oeq, %select_n3A_157, %eq3A_161 : vector<256x2048xf32>
    %jit3A_163 = arith.constant 2048 : i32
    %broadcast_in_dim3A_164 = vector.broadcast %jit3A_163 : i32 to vector<256x2048xi32>
    %select_n3A_165 = arith.select %eq3A_162, %iota3A, %broadcast_in_dim3A_164 : vector<256x2048xi1>, vector<256x2048xi32>
    %reduce_min3A_166 = arith.constant dense<2147483647> : vector<256xi32>
    %reduce_min3A_167 = vector.multi_reduction <minsi>, %select_n3A_165, %reduce_min3A_166 [1] : vector<256x2048xi32> to vector<256xi32>
    %broadcast_in_dim3A_168 = vector.shape_cast %reduce_min3A_167 : vector<256xi32> to vector<256x1xi32>
    %eq3A_169 = vector.broadcast %broadcast_in_dim3A_168 : vector<256x1xi32> to vector<256x2048xi32>
    %eq3A_170 = arith.cmpi eq, %iota3A, %eq3A_169 : vector<256x2048xi32>
    %jit3A_171 = arith.constant 3.000000e+38 : f32
    %broadcast_in_dim3A_172 = vector.broadcast %jit3A_171 : f32 to vector<256x2048xf32>
    %select_n3A_173 = arith.select %eq3A_170, %broadcast_in_dim3A_172, %select_n3A_157 : vector<256x2048xi1>, vector<256x2048xf32>
    %reduce_min3A_174 = arith.constant dense<0x7F800000> : vector<256xf32>
    %reduce_min3A_175 = vector.multi_reduction <minimumf>, %select_n3A_173, %reduce_min3A_174 [1] : vector<256x2048xf32> to vector<256xf32>
    %broadcast_in_dim3A_176 = vector.shape_cast %reduce_min3A_175 : vector<256xf32> to vector<256x1xf32>
    %eq3A_177 = vector.broadcast %broadcast_in_dim3A_176 : vector<256x1xf32> to vector<256x2048xf32>
    %eq3A_178 = arith.cmpf oeq, %select_n3A_173, %eq3A_177 : vector<256x2048xf32>
    %jit3A_179 = arith.constant 2048 : i32
    %broadcast_in_dim3A_180 = vector.broadcast %jit3A_179 : i32 to vector<256x2048xi32>
    %select_n3A_181 = arith.select %eq3A_178, %iota3A, %broadcast_in_dim3A_180 : vector<256x2048xi1>, vector<256x2048xi32>
    %reduce_min3A_182 = arith.constant dense<2147483647> : vector<256xi32>
    %reduce_min3A_183 = vector.multi_reduction <minsi>, %select_n3A_181, %reduce_min3A_182 [1] : vector<256x2048xi32> to vector<256xi32>
    %broadcast_in_dim3A_184 = vector.shape_cast %reduce_min3A_183 : vector<256xi32> to vector<256x1xi32>
    %eq3A_185 = vector.broadcast %broadcast_in_dim3A_184 : vector<256x1xi32> to vector<256x2048xi32>
    %eq3A_186 = arith.cmpi eq, %iota3A, %eq3A_185 : vector<256x2048xi32>
    %jit3A_187 = arith.constant 3.000000e+38 : f32
    %broadcast_in_dim3A_188 = vector.broadcast %jit3A_187 : f32 to vector<256x2048xf32>
    %select_n3A_189 = arith.select %eq3A_186, %broadcast_in_dim3A_188, %select_n3A_173 : vector<256x2048xi1>, vector<256x2048xf32>
    %reduce_min3A_190 = arith.constant dense<0x7F800000> : vector<256xf32>
    %reduce_min3A_191 = vector.multi_reduction <minimumf>, %select_n3A_189, %reduce_min3A_190 [1] : vector<256x2048xf32> to vector<256xf32>
    %broadcast_in_dim3A_192 = vector.shape_cast %reduce_min3A_191 : vector<256xf32> to vector<256x1xf32>
    %eq3A_193 = vector.broadcast %broadcast_in_dim3A_192 : vector<256x1xf32> to vector<256x2048xf32>
    %eq3A_194 = arith.cmpf oeq, %select_n3A_189, %eq3A_193 : vector<256x2048xf32>
    %jit3A_195 = arith.constant 2048 : i32
    %broadcast_in_dim3A_196 = vector.broadcast %jit3A_195 : i32 to vector<256x2048xi32>
    %select_n3A_197 = arith.select %eq3A_194, %iota3A, %broadcast_in_dim3A_196 : vector<256x2048xi1>, vector<256x2048xi32>
    %reduce_min3A_198 = arith.constant dense<2147483647> : vector<256xi32>
    %reduce_min3A_199 = vector.multi_reduction <minsi>, %select_n3A_197, %reduce_min3A_198 [1] : vector<256x2048xi32> to vector<256xi32>
    %broadcast_in_dim3A_200 = vector.shape_cast %reduce_min3A_199 : vector<256xi32> to vector<256x1xi32>
    %eq3A_201 = vector.broadcast %broadcast_in_dim3A_200 : vector<256x1xi32> to vector<256x2048xi32>
    %eq3A_202 = arith.cmpi eq, %iota3A, %eq3A_201 : vector<256x2048xi32>
    %jit3A_203 = arith.constant 3.000000e+38 : f32
    %broadcast_in_dim3A_204 = vector.broadcast %jit3A_203 : f32 to vector<256x2048xf32>
    %select_n3A_205 = arith.select %eq3A_202, %broadcast_in_dim3A_204, %select_n3A_189 : vector<256x2048xi1>, vector<256x2048xf32>
    %reduce_min3A_206 = arith.constant dense<0x7F800000> : vector<256xf32>
    %reduce_min3A_207 = vector.multi_reduction <minimumf>, %select_n3A_205, %reduce_min3A_206 [1] : vector<256x2048xf32> to vector<256xf32>
    %broadcast_in_dim3A_208 = vector.shape_cast %reduce_min3A_207 : vector<256xf32> to vector<256x1xf32>
    %eq3A_209 = vector.broadcast %broadcast_in_dim3A_208 : vector<256x1xf32> to vector<256x2048xf32>
    %eq3A_210 = arith.cmpf oeq, %select_n3A_205, %eq3A_209 : vector<256x2048xf32>
    %jit3A_211 = arith.constant 2048 : i32
    %broadcast_in_dim3A_212 = vector.broadcast %jit3A_211 : i32 to vector<256x2048xi32>
    %select_n3A_213 = arith.select %eq3A_210, %iota3A, %broadcast_in_dim3A_212 : vector<256x2048xi1>, vector<256x2048xi32>
    %reduce_min3A_214 = arith.constant dense<2147483647> : vector<256xi32>
    %reduce_min3A_215 = vector.multi_reduction <minsi>, %select_n3A_213, %reduce_min3A_214 [1] : vector<256x2048xi32> to vector<256xi32>
    %broadcast_in_dim3A_216 = vector.shape_cast %reduce_min3A_215 : vector<256xi32> to vector<256x1xi32>
    %eq3A_217 = vector.broadcast %broadcast_in_dim3A_216 : vector<256x1xi32> to vector<256x2048xi32>
    %eq3A_218 = arith.cmpi eq, %iota3A, %eq3A_217 : vector<256x2048xi32>
    %jit3A_219 = arith.constant 3.000000e+38 : f32
    %broadcast_in_dim3A_220 = vector.broadcast %jit3A_219 : f32 to vector<256x2048xf32>
    %select_n3A_221 = arith.select %eq3A_218, %broadcast_in_dim3A_220, %select_n3A_205 : vector<256x2048xi1>, vector<256x2048xf32>
    %reduce_min3A_222 = arith.constant dense<0x7F800000> : vector<256xf32>
    %reduce_min3A_223 = vector.multi_reduction <minimumf>, %select_n3A_221, %reduce_min3A_222 [1] : vector<256x2048xf32> to vector<256xf32>
    %broadcast_in_dim3A_224 = vector.shape_cast %reduce_min3A_223 : vector<256xf32> to vector<256x1xf32>
    %eq3A_225 = vector.broadcast %broadcast_in_dim3A_224 : vector<256x1xf32> to vector<256x2048xf32>
    %eq3A_226 = arith.cmpf oeq, %select_n3A_221, %eq3A_225 : vector<256x2048xf32>
    %jit3A_227 = arith.constant 2048 : i32
    %broadcast_in_dim3A_228 = vector.broadcast %jit3A_227 : i32 to vector<256x2048xi32>
    %select_n3A_229 = arith.select %eq3A_226, %iota3A, %broadcast_in_dim3A_228 : vector<256x2048xi1>, vector<256x2048xi32>
    %reduce_min3A_230 = arith.constant dense<2147483647> : vector<256xi32>
    %reduce_min3A_231 = vector.multi_reduction <minsi>, %select_n3A_229, %reduce_min3A_230 [1] : vector<256x2048xi32> to vector<256xi32>
    %broadcast_in_dim3A_232 = vector.shape_cast %reduce_min3A_231 : vector<256xi32> to vector<256x1xi32>
    %eq3A_233 = vector.broadcast %broadcast_in_dim3A_232 : vector<256x1xi32> to vector<256x2048xi32>
    %eq3A_234 = arith.cmpi eq, %iota3A, %eq3A_233 : vector<256x2048xi32>
    %jit3A_235 = arith.constant 3.000000e+38 : f32
    %broadcast_in_dim3A_236 = vector.broadcast %jit3A_235 : f32 to vector<256x2048xf32>
    %select_n3A_237 = arith.select %eq3A_234, %broadcast_in_dim3A_236, %select_n3A_221 : vector<256x2048xi1>, vector<256x2048xf32>
    %reduce_min3A_238 = arith.constant dense<0x7F800000> : vector<256xf32>
    %reduce_min3A_239 = vector.multi_reduction <minimumf>, %select_n3A_237, %reduce_min3A_238 [1] : vector<256x2048xf32> to vector<256xf32>
    %broadcast_in_dim3A_240 = vector.shape_cast %reduce_min3A_239 : vector<256xf32> to vector<256x1xf32>
    %eq3A_241 = vector.broadcast %broadcast_in_dim3A_240 : vector<256x1xf32> to vector<256x2048xf32>
    %eq3A_242 = arith.cmpf oeq, %select_n3A_237, %eq3A_241 : vector<256x2048xf32>
    %jit3A_243 = arith.constant 2048 : i32
    %broadcast_in_dim3A_244 = vector.broadcast %jit3A_243 : i32 to vector<256x2048xi32>
    %select_n3A_245 = arith.select %eq3A_242, %iota3A, %broadcast_in_dim3A_244 : vector<256x2048xi1>, vector<256x2048xi32>
    %reduce_min3A_246 = arith.constant dense<2147483647> : vector<256xi32>
    %reduce_min3A_247 = vector.multi_reduction <minsi>, %select_n3A_245, %reduce_min3A_246 [1] : vector<256x2048xi32> to vector<256xi32>
    %broadcast_in_dim3A_248 = vector.shape_cast %reduce_min3A_247 : vector<256xi32> to vector<256x1xi32>
    %eq3A_249 = vector.broadcast %broadcast_in_dim3A_248 : vector<256x1xi32> to vector<256x2048xi32>
    %eq3A_250 = arith.cmpi eq, %iota3A, %eq3A_249 : vector<256x2048xi32>
    %jit3A_251 = arith.constant 3.000000e+38 : f32
    %broadcast_in_dim3A_252 = vector.broadcast %jit3A_251 : f32 to vector<256x2048xf32>
    %select_n3A_253 = arith.select %eq3A_250, %broadcast_in_dim3A_252, %select_n3A_237 : vector<256x2048xi1>, vector<256x2048xf32>
    %reduce_min3A_254 = arith.constant dense<0x7F800000> : vector<256xf32>
    %reduce_min3A_255 = vector.multi_reduction <minimumf>, %select_n3A_253, %reduce_min3A_254 [1] : vector<256x2048xf32> to vector<256xf32>
    %broadcast_in_dim3A_256 = vector.shape_cast %reduce_min3A_255 : vector<256xf32> to vector<256x1xf32>
    %eq3A_257 = vector.broadcast %broadcast_in_dim3A_256 : vector<256x1xf32> to vector<256x2048xf32>
    %eq3A_258 = arith.cmpf oeq, %select_n3A_253, %eq3A_257 : vector<256x2048xf32>
    %jit3A_259 = arith.constant 2048 : i32
    %broadcast_in_dim3A_260 = vector.broadcast %jit3A_259 : i32 to vector<256x2048xi32>
    %select_n3A_261 = arith.select %eq3A_258, %iota3A, %broadcast_in_dim3A_260 : vector<256x2048xi1>, vector<256x2048xi32>
    %reduce_min3A_262 = arith.constant dense<2147483647> : vector<256xi32>
    %reduce_min3A_263 = vector.multi_reduction <minsi>, %select_n3A_261, %reduce_min3A_262 [1] : vector<256x2048xi32> to vector<256xi32>
    %broadcast_in_dim3A_264 = vector.shape_cast %reduce_min3A_263 : vector<256xi32> to vector<256x1xi32>
    %concatenate3A = tpu.concatenate %broadcast_in_dim3A_19, %broadcast_in_dim3A_32, %broadcast_in_dim3A_48, %broadcast_in_dim3A_64, %broadcast_in_dim3A_80, %broadcast_in_dim3A_96, %broadcast_in_dim3A_112, %broadcast_in_dim3A_128, %broadcast_in_dim3A_144, %broadcast_in_dim3A_160, %broadcast_in_dim3A_176, %broadcast_in_dim3A_192, %broadcast_in_dim3A_208, %broadcast_in_dim3A_224, %broadcast_in_dim3A_240, %broadcast_in_dim3A_256 in 1 : vector<256x1xf32>, vector<256x1xf32>, vector<256x1xf32>, vector<256x1xf32>, vector<256x1xf32>, vector<256x1xf32>, vector<256x1xf32>, vector<256x1xf32>, vector<256x1xf32>, vector<256x1xf32>, vector<256x1xf32>, vector<256x1xf32>, vector<256x1xf32>, vector<256x1xf32>, vector<256x1xf32>, vector<256x1xf32> -> vector<256x16xf32>
    %swap3A = arith.constant 0 : index
    %swap3A_265 = arith.constant 0 : index
    %swap3A_266 = vector.load %arg3[%swap3A, %swap3A_265] : memref<256x16xf32, #tpu.memory_space<vmem>>, vector<256x16xf32>
    tpu.vector_store %arg3[%swap3A, %swap3A_265], %concatenate3A {strides = array<i32>} : memref<256x16xf32, #tpu.memory_space<vmem>>, vector<256x16xf32>,
    %concatenate3A_267 = tpu.concatenate %broadcast_in_dim3A_24, %broadcast_in_dim3A_40, %broadcast_in_dim3A_56, %broadcast_in_dim3A_72, %broadcast_in_dim3A_88, %broadcast_in_dim3A_104, %broadcast_in_dim3A_120, %broadcast_in_dim3A_136, %broadcast_in_dim3A_152, %broadcast_in_dim3A_168, %broadcast_in_dim3A_184, %broadcast_in_dim3A_200, %broadcast_in_dim3A_216, %broadcast_in_dim3A_232, %broadcast_in_dim3A_248, %broadcast_in_dim3A_264 in 1 : vector<256x1xi32>, vector<256x1xi32>, vector<256x1xi32>, vector<256x1xi32>, vector<256x1xi32>, vector<256x1xi32>, vector<256x1xi32>, vector<256x1xi32>, vector<256x1xi32>, vector<256x1xi32>, vector<256x1xi32>, vector<256x1xi32>, vector<256x1xi32>, vector<256x1xi32>, vector<256x1xi32>, vector<256x1xi32> -> vector<256x16xi32>
    %swap3A_268 = arith.constant 0 : index
    %swap3A_269 = arith.constant 0 : index
    %swap3A_270 = vector.load %arg4[%swap3A_268, %swap3A_269] : memref<256x16xi32, #tpu.memory_space<vmem>>, vector<256x16xi32>
    tpu.vector_store %arg4[%swap3A_268, %swap3A_269], %concatenate3A_267 {strides = array<i32>} : memref<256x16xi32, #tpu.memory_space<vmem>>, vector<256x16xi32>,
    return
  }
  func.func @transform_0(%arg0: i32) -> (i32, i32) {
    %c0_i32 = arith.constant 0 : i32
    %c0_i32_0 = arith.constant 0 : i32
    return %arg0, %c0_i32 : i32, i32
  }
  func.func @transform_1(%arg0: i32) -> (i32, i32) {
    %c0_i32 = arith.constant 0 : i32
    %c0_i32_0 = arith.constant 0 : i32
    %c0_i32_1 = arith.constant 0 : i32
    return %c0_i32, %c0_i32_0 : i32, i32
  }
  func.func @transform_2(%arg0: i32) -> (i32, i32) {
    %c0_i32 = arith.constant 0 : i32
    %c0_i32_0 = arith.constant 0 : i32
    return %arg0, %c0_i32 : i32, i32
  }
  func.func @transform_3(%arg0: i32) -> (i32, i32) {
    %c0_i32 = arith.constant 0 : i32
    %c0_i32_0 = arith.constant 0 : i32
    return %arg0, %c0_i32 : i32, i32
  }
}

module attributes {stable_mosaic.version = 14 : i64} {
  func.func @_matvec_kernel(%arg0: i32, %arg1: memref<4096x128xf32, #tpu.memory_space<vmem>>, %arg2: memref<128x1xf32, #tpu.memory_space<vmem>>, %arg3: memref<4096x1xf32, #tpu.memory_space<vmem>>) attributes {dimension_semantics = [#tpu.dimension_semantics<arbitrary>], iteration_bounds = array<i64: 8>, scalar_prefetch = 0 : i64, scratch_operands = 0 : i64, tpu.core_type = #tpu.core_type<tc>, window_params = [{transform_indices = @transform_0, window_bounds = array<i64: 4096, 128>}, {pipeline_mode = #tpu.pipeline_mode<synchronous>, transform_indices = @transform_1, window_bounds = array<i64: 128, 1>}, {transform_indices = @transform_2, window_bounds = array<i64: 4096, 1>}]} {
    %get3A = arith.constant 0 : index
    %get3A_0 = arith.constant 0 : index
    %get3A_1 = vector.load %arg1[%get3A, %get3A_0] : memref<4096x128xf32, #tpu.memory_space<vmem>>, vector<4096x128xf32>
    %get3A_2 = arith.constant 0 : index
    %get3A_3 = arith.constant 0 : index
    %get3A_4 = vector.load %arg2[%get3A_2, %get3A_3] : memref<128x1xf32, #tpu.memory_space<vmem>>, vector<128x1xf32>
    %dot_general3A = arith.constant dense<0.000000e+00> : vector<4096x1xf32>
    %dot_general3A_5 = tpu.matmul %get3A_1, %get3A_4, %dot_general3A {dimension_numbers = #tpu.dot_dimension_numbers<[1], [0], [0], [1], [0, 0, 1, 1], [], []>, transpose_lhs_hint = false} : vector<4096x128xf32>, vector<128x1xf32>, vector<4096x1xf32> -> vector<4096x1xf32>
    %swap3A = arith.constant 0 : index
    %swap3A_6 = arith.constant 0 : index
    %swap3A_7 = vector.load %arg3[%swap3A, %swap3A_6] : memref<4096x1xf32, #tpu.memory_space<vmem>>, vector<4096x1xf32>
    tpu.vector_store %arg3[%swap3A, %swap3A_6], %dot_general3A_5 {strides = array<i32>} : memref<4096x1xf32, #tpu.memory_space<vmem>>, vector<4096x1xf32>,
    return
  }
  func.func @transform_0(%arg0: i32) -> (i32, i32) {
    %c0_i32 = arith.constant 0 : i32
    %c0_i32_0 = arith.constant 0 : i32
    return %arg0, %c0_i32 : i32, i32
  }
  func.func @transform_1(%arg0: i32) -> (i32, i32) {
    %c0_i32 = arith.constant 0 : i32
    %c0_i32_0 = arith.constant 0 : i32
    %c0_i32_1 = arith.constant 0 : i32
    return %c0_i32, %c0_i32_0 : i32, i32
  }
  func.func @transform_2(%arg0: i32) -> (i32, i32) {
    %c0_i32 = arith.constant 0 : i32
    %c0_i32_0 = arith.constant 0 : i32
    return %arg0, %c0_i32 : i32, i32
  }
}

</mosaic_0001>

<sc_bundles>
// kernel: kernel.5.cloned.1.call-start
scs
__scs_entry_jumppad:
0x0: {  	(pc) =	sbr.rel $0x88, $3  }
0x1: {  	(tag) =	ssettag $0x0;
	lr =	simm.s32 $0x1  }
0x2: {  	[smem:$0x3F92] =	sst lr;
	_ =	strace $0xD0000000  }
0x3: {  	_ = 	snop  }
0x4: {  	_ = 	snop  }
0x5: {  	_ = 	snop  }
0x6: {  	_ = 	snop  }
0x7: {  	_ = 	snop  }
__scs_overlays_trampoline_lowered:
0x8: {  	[smem:$0x3FA1] =	sst s0  }
0x9: {  	[smem:$0x3FA2] =	sst s1  }
0xa: {  	[smem:$0x3FA3] =	sst s2  }
0xb: {  	[smem:$0x3FA4] =	sst s3  }
0xc: {  	[smem:$0x3FA5] =	sst s4  }
0xd: {  	[smem:$0x3FA6] =	sst s5  }
0xe: {  	[smem:$0x3FA7] =	sst s6  }
0xf: {  	[smem:$0x3FA8] =	sst s7  }
0x10: {  	[smem:$0x3FA9] =	sst s8  }
0x11: {  	[smem:$0x3FAA] =	sst s9;
	s0 =	simm.s32 @!p0 $0x0  }
0x12: {  	s1 =	sld [smem:$0x3F90];
	s0 =	simm.s32 @p0 $0x1  }
0x13: {  	[smem:$0x3FAB] =	sst s0;
	s0 =	simm.s32 @!p1 $0x0  }
0x14: {  	s2 =	sld [smem:$0x3F8F];
	s0 =	simm.s32 @p1 $0x1  }
0x15: {  	[smem:$0x3FAC] =	sst s0;
	s0 =	simm.s32 @!p2 $0x0  }
0x16: {  	s3 =	sld [smem:$0x3FDB];
	s0 =	simm.s32 @p2 $0x1  }
0x17: {  	s4 =	simm.s32 $0x1BF5;
	[smem:$0x3FAE] =	sst s0  }
0x18: {  	s0 =	sld [smem:$0x3F91];
	_ =	swait.ge [sflag:s4], $0x0  }
0x19: {  	s7 =	sld [smem:$0x3F92]  }
0x1a: {  	s8 =	sadd.s32 $0xFFFFE003, lr  }
0x1b: {  	s9 =	sadd.s32 $0xFFFFFEF7, lr;
	s5 =	simm.s32 $0xFFFFFFFF;
	p2 =	slt.u32 s8, $0xFFFFF086  }
0x1c: {  	p1 =	slt.u32 s9, $0xF7A;
	s5 =	simm.s32 @!p2 $0x0  }
0x1d: {  	s5 =	simm.s32 @p1 $0x1;
	p0 =	seq.s32 s7, s2  }
0x1e: {  	s7 =	smul.u32 @!p0 $0xF7A, s2;
	p2 =	seq.s32 @!p0 s5, $0x0  }
0x1f: {  	s9 =	smul.u32 $0xF7A, s1;
	s8 =	simm.s32 @!p0 $0x1BF5;
	p2 =	por !p2, p0  }
0x20: {  	[sflag:s8] =	ssyncset.s32 @!p0 $0xFFFFF086;
	s6 =	sadd.s32 @!p0 s3, s7;
	s7 =	simm.s32 @!p0 $0x108  }
0x21: {  	s3 =	sadd.s32 s3, s9;
	s6 =	sadd.s32 @!p0 $0x88, s6;
	s7 =	simm.s32 @p2 $0x1082  }
0x22: {  	[simem:s7], [sflag:s8] =	dma.local @!p0 [hbm:s6], $0xF7A  }
0x23: {  	s9 =	sor.u32 $0xD0000000, s2;
	s6 =	simm.s32 $0x108;
	_ =	swait.ge @!p0 [sflag:s8], $0x0  }
0x24: {  	s3 =	sadd.s32 $0x88, s3;
	s6 =	simm.s32 @!p1 $0x1082;
	[sflag:s4] =	ssyncset.s32 $0xFFFFF086  }
0x25: {  	[simem:s6], [sflag:s4] =	dma.local [hbm:s3], $0xF7A  }
0x26: {  	[smem:$0x3F92] =	sst s1;
	(tag) =	ssettag s2;
	_ =	strace s9  }
0x27: {  	s1 =	sld [smem:$0x3FA2]  }
0x28: {  	s2 =	sld [smem:$0x3FA3]  }
0x29: {  	s4 =	sld [smem:$0x3FA5]  }
0x2a: {  	p0 =	seq.s32 s5, $0x0;
	s5 =	sld [smem:$0x3FA6]  }
0x2b: {  	s6 =	sld [smem:$0x3FA7]  }
0x2c: {  	s7 =	sld [smem:$0x3FA8]  }
0x2d: {  	s3 =	simm.s32 $0x108;
	s8 =	sld [smem:$0x3FA9]  }
0x2e: {  	s3 =	simm.s32 @!p0 $0x1082;
	s9 =	sld [smem:$0x3FAA]  }
0x2f: {  	lr =	sadd.s32 s0, s3;
	s0 =	sld [smem:$0x3FA1]  }
0x30: {  	s3 =	sld [smem:$0x3FA4]  }
0x31: {  	[smem:$0x3FAD] =	sst s10  }
0x32: {  	s10 =	sld [smem:$0x3FAB];
	_ =	sdelay $0x3  }
0x33: {  	p0 =	seq.s32 s10, $0x1;
	s10 =	sld [smem:$0x3FAD];
	_ =	sdelay $0x3  }
0x34: {  	[smem:$0x3FAD] =	sst s10  }
0x35: {  	s10 =	sld [smem:$0x3FAC];
	_ =	sdelay $0x3  }
0x36: {  	p1 =	seq.s32 s10, $0x1;
	s10 =	sld [smem:$0x3FAD];
	_ =	sdelay $0x3  }
0x37: {  	[smem:$0x3FAD] =	sst s10  }
0x38: {  	s10 =	sld [smem:$0x3FAE]  }
0x39: {  	_ = 	snop;
	(pc) =	sbr.ind lr, $3  }
0x3a: {  	_ = 	snop  }
0x3b: {  	_ = 	snop  }
0x3c: {  	p2 =	seq.s32 s10, $0x1;
	s10 =	sld [smem:$0x3FAD]  }
0x3d: {  	_ =	shalt  }
0x3e: {  	_ =	shalt  }
0x3f: {  	_ =	shalt  }
0x40: {  	_ =	shalt  }
0x41: {  	_ =	shalt  }
0x42: {  	_ =	shalt  }
0x43: {  	_ =	shalt  }
0x44: {  	_ =	shalt  }
0x45: {  	_ =	shalt  }
0x46: {  	_ =	shalt  }
0x47: {  	_ =	shalt  }
0x48: {  	_ =	shalt  }
0x49: {  	_ =	shalt  }
0x4a: {  	_ =	shalt  }
0x4b: {  	_ =	shalt  }
0x4c: {  	_ =	shalt  }
0x4d: {  	_ =	shalt  }
0x4e: {  	_ =	shalt  }
0x4f: {  	_ =	shalt  }
0x50: {  	_ =	shalt  }
0x51: {  	_ =	shalt  }
0x52: {  	_ =	shalt  }
0x53: {  	_ =	shalt  }
0x54: {  	_ =	shalt  }
0x55: {  	_ =	shalt  }
0x56: {  	_ =	shalt  }
0x57: {  	_ =	shalt  }
0x58: {  	_ =	shalt  }
0x59: {  	_ =	shalt  }
0x5a: {  	_ =	shalt  }
0x5b: {  	_ =	shalt  }
0x5c: {  	_ =	shalt  }
0x5d: {  	_ =	shalt  }
0x5e: {  	_ =	shalt  }
0x5f: {  	_ =	shalt  }
0x60: {  	_ =	shalt  }
0x61: {  	_ =	shalt  }
0x62: {  	_ =	shalt  }
0x63: {  	_ =	shalt  }
0x64: {  	_ =	shalt  }
0x65: {  	_ =	shalt  }
0x66: {  	_ =	shalt  }
0x67: {  	_ =	shalt  }
0x68: {  	_ =	shalt  }
0x69: {  	_ =	shalt  }
0x6a: {  	_ =	shalt  }
0x6b: {  	_ =	shalt  }
0x6c: {  	_ =	shalt  }
0x6d: {  	_ =	shalt  }
0x6e: {  	_ =	shalt  }
0x6f: {  	_ =	shalt  }
0x70: {  	_ =	shalt  }
0x71: {  	_ =	shalt  }
0x72: {  	_ =	shalt  }
0x73: {  	_ =	shalt  }
0x74: {  	_ =	shalt  }
0x75: {  	_ =	shalt  }
0x76: {  	_ =	shalt  }
0x77: {  	_ =	shalt  }
0x78: {  	_ =	shalt  }
0x79: {  	_ =	shalt  }
0x7a: {  	_ =	shalt  }
0x7b: {  	_ =	shalt  }
0x7c: {  	_ =	shalt  }
0x7d: {  	_ =	shalt  }
0x7e: {  	_ =	shalt  }
0x7f: {  	_ =	shalt  }
0x80: {  	_ =	shalt  }
0x81: {  	_ =	shalt  }
0x82: {  	_ =	shalt  }
0x83: {  	_ =	shalt  }
0x84: {  	_ =	shalt  }
0x85: {  	_ =	shalt  }
0x86: {  	_ =	shalt  }
0x87: {  	_ =	shalt  }
.Lfunc_end0:
.L_simem_size_0:
called_computation_lowered:
.L_overlay_start_0:
0x88: {  	s2 =	sld [smem:$0x3FD9]  }
0x89: {  	s3 =	sld [smem:$0x3FFE];
	_ =	sdelay $0x1  }
0x8a: {  	s1 =	srdreg.scid  }
0x8b: {  	s0 =	sand.u32 $0x1, s1  }
0x8c: {  	s17 =	sshll.u32 s0, $0xA;
	s2 =	sadd.s32 s3, s2  }
0x8d: {  	s2 =	sadd.s32 s2, s17  }
0x8e: {  	[smem:$0x3FB9] =	sst s2  }
0x8f: {  	_ = 	snop  }
0x90: {  	s2 =	sld [smem:$0x3FD0];
	(tm) =	ssettm $0x1  }
0x91: {  	s18 =	sld [smem:$0x3FFB];
	_ =	sdelay $0x3  }
0x92: {  	_ =	strace s18  }
0x93: {  	s3 =	sld [smem:$0x3FFC];
	_ =	sdelay $0x3  }
0x94: {  	_ =	strace s3  }
0x95: {  	s3 =	sld [smem:$0x3FFD];
	_ =	sdelay $0x3  }
0x96: {  	_ =	strace s3  }
0x97: {  	_ =	strace $0x8FFFFFFF  }
0x98: {  	s19 =	sld [smem:$0x3FDB];
	_ =	sdelay $0x1  }
0x99: {  	s4 =	simm.s32 $_scs_section_size  }
0x9a: {  	s5 =	simm.s32 $_size__tile_overlayer_lowered;
	s6 =	simm.s32 $_tile_overlayer_lowered  }
0x9b: {  	s22 =	simm.s32 $0x1BFF;
	s21 =	sshll.u32 s6, $0x1;
	s3 =	sadd.s32 s4, s19  }
0x9c: {  	s7 =	simm.s32 $0x0;
	s20 =	sshll.u32 s5, $0x1;
	s5 =	sadd.s32 s21, s3  }
0x9d: {  	[timem:s7], [sflag:s22] =	dma.local [hbm:s5], s20  }
0x9e: {  	_ =	swait.ge [sflag:s22], s20  }
0x9f: {  	s4 =	ssub.s32 $0x0, s20;
	[sflag:s22] =	ssyncset.done $0x0  }
0xa0: {  	[sflag:s22] =	ssyncadd.s32 s4;
	_ =	sdelay $0x1  }
0xa1: {  	s23 =	simm.s32 $0x1B8B  }
0xa2: {  	_ =	swait.ge [sflag:s23], $0x1  }
0xa3: {  	[sflag:s23] =	ssyncset.done $0x0  }
0xa4: {  	s25 =	simm.s32 $0x1B8E;
	s24 =	sld [smem:$0x3FFE];
	[sflag:s23] =	ssyncadd.s32 $0xFFFFFFFF  }
0xa5: {  	s26 =	simm.s32 $execute0_lowered;
	[smem:$0x3FD2] =	sst s25  }
0xa6: {  	s5 =	sshll.u32 s26, $0x1;
	_ =	strace $0x80000046;
	[dreg:$0x1] =	wrdreg $0xFFFFFFFF  }
0xa7: {  	s28 =	simm.s32 $_size_execute0_lowered;
	s3 =	sadd.s32 s3, s5;
	[dreg:$0x0] =	wrdreg $0x0  }
0xa8: {  	s5 =	sshll.u32 s28, $0x1;
	[dreg:$0x2] =	wrdreg s3  }
0xa9: {  	[dreg:$0x3] =	wrdreg s5  }
0xaa: {  	[dreg:$0x4] =	wrdreg $0xC0  }
0xab: {  	_ =	task [dreg:s7], $0x5FFFF  }
0xac: {  	[dreg:$0x1] =	wrdreg $0xFFFFFFFF  }
0xad: {  	[dreg:$0x0] =	wrdreg $0x60  }
0xae: {  	[dreg:$0x2] =	wrdreg s24  }
0xaf: {  	[dreg:$0x3] =	wrdreg s2  }
0xb0: {  	[dreg:$0x4] =	wrdreg $0x9  }
0xb1: {  	_ =	task.clear_ibuf [dreg:s7], $0x5FFFF;
	_ =	strace $0x90000046  }
0xb2: {  	s29 =	simm.s32 $0x9;
	_ =	strace $0x80000048  }
0xb3: {  	_ =	swait.ge [sflag:s29], $0x1  }
0xb4: {  	[sflag:s29] =	ssyncadd.s32 $0xFFFFFFFF  }
0xb5: {  	_ =	strace $0x90000048  }
0xb6: {  	_ =	sfence  }
0xb7: {  	s30 =	sld [smem:$0x0];
	_ =	sdelay $0x2  }
0xb8: {  	s31 =	sshll.u32 s1, $0xD;
	s1 =	sshrl.u32 s1, $0x2  }
0xb9: {  	s3 =	sand.u32 $0x4000, s31;
	s1 =	sadd.s32 s1, s30  }
0xba: {  	s0 =	sor.u32 s3, s0;
	s1 =	sshll.u32 s1, $0x11  }
0xbb: {  	s0 =	sor.u32 s1, s0  }
0xbc: {  	s0 =	sadd.s32 $0x8F2B, s0  }
0xbd: {  	[sflag:s0] =	ssyncadd.remote.s32 $0x1  }
0xbe: {  	_ =	sfence.sel $0xFFFF  }
0xbf: {  	[dreg:$0x0] =	wrdreg $0xFFFFFFFF;
	(pc) =	sbr.abs _section_cstart, $3  }
0xc0: {  	[dreg:$0x1] =	wrdreg $0xFFFFFFFF  }
0xc1: {  	_ =	task.clear_ibuf [dreg:s7], $0x2FFFF;
	_ =	strace $0x9FFFFFFF  }
0xc2: {  	(tm) =	ssettm $0x7FFFFFFF  }
0xc3: {  	_ =	shalt  }
tec
execute0_lowered:
.L_overlay_start_1:
0x0: {  	(tag) =	ssettag $0x1  }
0x1: {  	s5 =	rddreg [dreg:$0x0]  }
0x2: {  	s6 =	rddreg [dreg:$0x1]  }
0x3: {  	s0 =	rddreg [dreg:$0x2];
	s1 =	simm.s32 $0x0  }
0x4: {  	s2 =	srdreg.scid;
	[smem:$0x7FF] =	sst s1  }
0x5: {  	s3 =	sadd.s32 $0x2C00, s5;
	s8 =	sand.u32 $0x1, s2;
	s2 =	stileid.u32  }
0x6: {  	s4 =	sadd.s32 $0x3C00, s5;
	s12 =	sshll.u32 s2, $0xD;
	s13 =	sshll.u32 s8, $0xC  }
0x7: {  	s5 =	sadd.s32 $0x4C00, s5;
	_ =	strace $0x80000047;
	s30 =	sor.u32 s13, s12  }
0x8: {  	s7 =	ssub.s32 $0x2, s8;
	s10 =	sshll.u32 s2, $0x8;
	s13 =	sshrl.u32 s30, $0x2  }
0x9: {  	s11 =	sshll.u32 s8, $0x7;
	s31 =	sshll.u32 s2, $0x7;
	s8 =	sshll.u32 s8, $0x6;
	v0 =	vmov s13  }
0xa: {  	s9 =	sshrl.u32 s7, $0x1;
	s29 =	sor.u32 s11, s10;
	s8 =	sor.u32 s8, s31  }
0xb: {  	s10 =	simm.s32 $0x8000;
	s11 =	simm.s32 $0x10400;
	s12 =	simm.s32 $0x10000  }
0xc: {  	s7 =	ssub.s32 s7, s9;
	s6 =	sadd.s32 s6, s29;
	s14 =	sor.u32 $0x8000, s13  }
0xd: {  	s9 =	simm.s32 $0x1;
	s7 =	smax.u32 s7, $0x1;
	s13 =	simm.s32 $0x0;
	v1 =	vmov s14  }
.LBB2_1:
0xe: {  	[tilespmem:s1], [sflag:$0x1] =	stream.linear.gather [hbm4b:s3+s1], $0x8000, $0x38;
	[tilespmem:$0x10480] =	vst v63  }
0xf: {  	_ =	swait.ge [sflag:s9], $0x8000  }
0x10: {  	[sflag:s9] =	ssyncset.done $0x0  }
0x11: {  	[sflag:s9] =	ssyncadd.s32 $0xFFFF8000  }
0x12: {  	[tilespmem:s10], [sflag:$0x1] =	stream.linear.gather [hbm4b:s4+s1], $0x8000, $0x38;
	[tilespmem:$0x10480] =	vst v63  }
0x13: {  	_ =	swait.ge [sflag:s9], $0x8000  }
0x14: {  	[sflag:s9] =	ssyncset.done $0x0  }
0x15: {  	[sflag:s9] =	ssyncadd.s32 $0xFFFF8000  }
0x16: {  	[tilespmem:s11], [sflag:$0x1] =	stream.linear.gather [hbm4b:s5+s1], $0x80, $0x38;
	[tilespmem:$0x10480] =	vst v63  }
0x17: {  	_ =	swait.ge [sflag:s9], $0x80  }
0x18: {  	[sflag:s9] =	ssyncset.done $0x0  }
0x19: {  	s15 =	simm.s32 $0x0;
	[sflag:s9] =	ssyncadd.s32 $0xFFFFFF80  }
0x1a: {  	v2 =	vld.idx.msk [tilespmem:v0+s15+$0x0 ss:$0x1], $0xffff;
	_ =	sdelay $0x4  }
0x1b: {  	v2 =	vshll.u32 v2, $0x4;
	_ =	sdelay $0x1  }
0x1c: {  	v3 =	vor.u32 $0x1, v2  }
0x1d: {  	v4 =	vld.idx.msk [tilespmem:v1+s15+$0x0 ss:$0x1], $0xffff  }
0x1e: {  	v5 =	vld [tilespmem:$0x10400];
	v6 =	vor.u32 $0x2, v2  }
0x1f: {  	v7 =	vld.idx.msk [tilespmem:v2+s1+$0x0], $0xffff  }
0x20: {  	v9 =	vor.u32 $0x3, v2;
	v8 =	vld.idx.msk [tilespmem:v2+s10+$0x0], $0xffff  }
0x21: {  	v10 =	vld.idx.msk [tilespmem:v3+s1+$0x0], $0xffff  }
0x22: {  	v11 =	vor.u32 $0x4, v2;
	v3 =	vld.idx.msk [tilespmem:v3+s10+$0x0], $0xffff  }
0x23: {  	v12 =	vld.idx.msk [tilespmem:v6+s1+$0x0], $0xffff  }
0x24: {  	v4 =	vadd.f32 v5, v4;
	v13 =	vor.u32 $0x5, v2;
	v6 =	vld.idx.msk [tilespmem:v6+s10+$0x0], $0xffff;
	vm0 =	veq.s32 v7, s8  }
0x25: {  	v21 =	vld.idx.msk [tilespmem:v9+s1+$0x0], $0xffff;
	v7 =	vnsel vm0, $0x0, v8  }
0x26: {  	v23 =	vor.u32 $0x6, v2;
	v22 =	vld.idx.msk [tilespmem:v9+s10+$0x0], $0xffff;
	vm13 =	veq.s32 v10, s8;
	v4 =	vadd.f32 v7, v4  }
0x27: {  	v24 =	vld.idx.msk [tilespmem:v11+s1+$0x0], $0xffff;
	v3 =	vnsel vm13, $0x0, v3  }
0x28: {  	v26 =	vor.u32 $0x7, v2;
	v25 =	vld.idx.msk [tilespmem:v11+s10+$0x0], $0xffff;
	vm14 =	veq.s32 v12, s8;
	v3 =	vadd.f32 v3, v4  }
0x29: {  	v27 =	vld.idx.msk [tilespmem:v13+s1+$0x0], $0xffff;
	v6 =	vnsel vm14, $0x0, v6  }
0x2a: {  	v29 =	vor.u32 $0x8, v2;
	v28 =	vld.idx.msk [tilespmem:v13+s10+$0x0], $0xffff;
	vm15 =	veq.s32 v21, s8;
	v3 =	vadd.f32 v6, v3  }
0x2b: {  	v30 =	vld.idx.msk [tilespmem:v23+s1+$0x0], $0xffff;
	v31 =	vnsel vm15, $0x0, v22  }
0x2c: {  	v33 =	vor.u32 $0x9, v2;
	v32 =	vld.idx.msk [tilespmem:v23+s10+$0x0], $0xffff;
	vm4 =	veq.s32 v24, s8;
	v3 =	vadd.f32 v31, v3  }
0x2d: {  	v34 =	vld.idx.msk [tilespmem:v26+s1+$0x0], $0xffff;
	v7 =	vnsel vm4, $0x0, v25  }
0x2e: {  	v36 =	vor.u32 $0xA, v2;
	v35 =	vld.idx.msk [tilespmem:v26+s10+$0x0], $0xffff;
	vm5 =	veq.s32 v27, s8;
	v3 =	vadd.f32 v7, v3  }
0x2f: {  	v37 =	vld.idx.msk [tilespmem:v29+s1+$0x0], $0xffff;
	v38 =	vnsel vm5, $0x0, v28  }
0x30: {  	v40 =	vor.u32 $0xB, v2;
	v39 =	vld.idx.msk [tilespmem:v29+s10+$0x0], $0xffff;
	vm6 =	veq.s32 v30, s8;
	v3 =	vadd.f32 v38, v3  }
0x31: {  	v41 =	vld.idx.msk [tilespmem:v33+s1+$0x0], $0xffff;
	v42 =	vnsel vm6, $0x0, v32  }
0x32: {  	v44 =	vor.u32 $0xC, v2;
	v43 =	vld.idx.msk [tilespmem:v33+s10+$0x0], $0xffff;
	vm7 =	veq.s32 v34, s8;
	v3 =	vadd.f32 v42, v3  }
0x33: {  	v45 =	vld.idx.msk [tilespmem:v36+s1+$0x0], $0xffff;
	v46 =	vnsel vm7, $0x0, v35  }
0x34: {  	v48 =	vor.u32 $0xD, v2;
	v47 =	vld.idx.msk [tilespmem:v36+s10+$0x0], $0xffff;
	vm8 =	veq.s32 v37, s8;
	v3 =	vadd.f32 v46, v3  }
0x35: {  	v49 =	vld.idx.msk [tilespmem:v40+s1+$0x0], $0xffff;
	v50 =	vnsel vm8, $0x0, v39  }
0x36: {  	v52 =	vor.u32 $0xE, v2;
	v51 =	vld.idx.msk [tilespmem:v40+s10+$0x0], $0xffff;
	vm9 =	veq.s32 v41, s8;
	v3 =	vadd.f32 v50, v3  }
0x37: {  	v53 =	vld.idx.msk [tilespmem:v44+s1+$0x0], $0xffff;
	v54 =	vnsel vm9, $0x0, v43  }
0x38: {  	v2 =	vor.u32 $0xF, v2;
	v55 =	vld.idx.msk [tilespmem:v44+s10+$0x0], $0xffff;
	vm10 =	veq.s32 v45, s8;
	v3 =	vadd.f32 v54, v3  }
0x39: {  	v56 =	vld.idx.msk [tilespmem:v48+s1+$0x0], $0xffff;
	v57 =	vnsel vm10, $0x0, v47  }
0x3a: {  	v58 =	vld.idx.msk [tilespmem:v48+s10+$0x0], $0xffff;
	vm11 =	veq.s32 v49, s8;
	v3 =	vadd.f32 v57, v3  }
0x3b: {  	v59 =	vld.idx.msk [tilespmem:v52+s1+$0x0], $0xffff;
	v60 =	vnsel vm11, $0x0, v51  }
0x3c: {  	v61 =	vld.idx.msk [tilespmem:v52+s10+$0x0], $0xffff;
	vm12 =	veq.s32 v53, s8;
	v3 =	vadd.f32 v60, v3  }
0x3d: {  	v62 =	vld.idx.msk [tilespmem:v2+s1+$0x0], $0xffff;
	v63 =	vnsel vm12, $0x0, v55  }
0x3e: {  	v2 =	vld.idx.msk [tilespmem:v2+s10+$0x0], $0xffff;
	vm13 =	veq.s32 v56, s8;
	v3 =	vadd.f32 v63, v3  }
0x3f: {  	v6 =	vnsel vm13, $0x0, v58  }
0x40: {  	vm14 =	veq.s32 v59, s8;
	v3 =	vadd.f32 v6, v3  }
0x41: {  	v4 =	vnsel vm14, $0x0, v61  }
0x42: {  	vm15 =	veq.s32 v62, s8;
	v3 =	vadd.f32 v4, v3  }
0x43: {  	v2 =	vnsel vm15, $0x0, v2  }
0x44: {  	v2 =	vadd.f32 v2, v3;
	_ =	sdelay $0x1  }
0x45: {  	s14 =	simm.s32 $0x10;
	s16 =	simm.s32 $0x80;
	[tilespmem:s15+$0x10000] =	vst v2;
	s15 =	smov.u32 s8  }
.LBB2_2:
0x46: {  	p0 =	sne.s32 s16, $0xFC0;
	v2 =	vld.idx.msk [tilespmem:v0+s14+$0x0 ss:$0x1], $0xffff;
	_ =	sdelay $0x5  }
0x47: {  	v2 =	vshll.u32 v2, $0x4;
	_ =	sdelay $0x1  }
0x48: {  	v3 =	vor.u32 $0x1, v2  }
0x49: {  	v4 =	vld.idx.msk [tilespmem:v1+s14+$0x0 ss:$0x1], $0xffff  }
0x4a: {  	v6 =	vor.u32 $0x2, v2;
	v5 =	vld [tilespmem:$0x10400]  }
0x4b: {  	v7 =	vld.idx.msk [tilespmem:v2+s1+$0x0], $0xffff  }
0x4c: {  	v9 =	vor.u32 $0x3, v2;
	v8 =	vld.idx.msk [tilespmem:v2+s10+$0x0], $0xffff  }
0x4d: {  	v10 =	vld.idx.msk [tilespmem:v3+s1+$0x0], $0xffff  }
0x4e: {  	v11 =	vor.u32 $0x4, v2;
	v3 =	vld.idx.msk [tilespmem:v3+s10+$0x0], $0xffff  }
0x4f: {  	v12 =	vld.idx.msk [tilespmem:v6+s1+$0x0], $0xffff  }
0x50: {  	s15 =	sadd.s32 $0x1, s15;
	v13 =	vor.u32 $0x5, v2;
	v6 =	vld.idx.msk [tilespmem:v6+s10+$0x0], $0xffff  }
0x51: {  	v4 =	vadd.f32 v5, v4;
	vm0 =	veq.s32 v7, s15;
	v5 =	vld.idx.msk [tilespmem:v9+s1+$0x0], $0xffff  }
0x52: {  	v7 =	vnsel vm0, $0x0, v8;
	v8 =	vld.idx.msk [tilespmem:v9+s10+$0x0], $0xffff;
	v9 =	vor.u32 $0x6, v2  }
0x53: {  	v4 =	vadd.f32 v7, v4;
	vm0 =	veq.s32 v10, s15;
	v7 =	vld.idx.msk [tilespmem:v11+s1+$0x0], $0xffff  }
0x54: {  	v3 =	vnsel vm0, $0x0, v3;
	v10 =	vld.idx.msk [tilespmem:v11+s10+$0x0], $0xffff;
	v11 =	vor.u32 $0x7, v2  }
0x55: {  	v3 =	vadd.f32 v3, v4;
	vm0 =	veq.s32 v12, s15;
	v4 =	vld.idx.msk [tilespmem:v13+s1+$0x0], $0xffff  }
0x56: {  	v6 =	vnsel vm0, $0x0, v6;
	v12 =	vld.idx.msk [tilespmem:v13+s10+$0x0], $0xffff;
	v13 =	vor.u32 $0x8, v2  }
0x57: {  	v3 =	vadd.f32 v6, v3;
	vm0 =	veq.s32 v5, s15;
	v5 =	vld.idx.msk [tilespmem:v9+s1+$0x0], $0xffff  }
0x58: {  	v6 =	vnsel vm0, $0x0, v8;
	v8 =	vld.idx.msk [tilespmem:v9+s10+$0x0], $0xffff;
	v9 =	vor.u32 $0x9, v2  }
0x59: {  	v3 =	vadd.f32 v6, v3;
	vm0 =	veq.s32 v7, s15;
	v6 =	vld.idx.msk [tilespmem:v11+s1+$0x0], $0xffff  }
0x5a: {  	v7 =	vnsel vm0, $0x0, v10;
	v10 =	vld.idx.msk [tilespmem:v11+s10+$0x0], $0xffff;
	v11 =	vor.u32 $0xA, v2  }
0x5b: {  	v3 =	vadd.f32 v7, v3;
	vm0 =	veq.s32 v4, s15;
	v4 =	vld.idx.msk [tilespmem:v13+s1+$0x0], $0xffff  }
0x5c: {  	v7 =	vnsel vm0, $0x0, v12;
	v12 =	vld.idx.msk [tilespmem:v13+s10+$0x0], $0xffff;
	v13 =	vor.u32 $0xB, v2  }
0x5d: {  	v3 =	vadd.f32 v7, v3;
	vm0 =	veq.s32 v5, s15;
	v5 =	vld.idx.msk [tilespmem:v9+s1+$0x0], $0xffff  }
0x5e: {  	v7 =	vnsel vm0, $0x0, v8;
	v8 =	vld.idx.msk [tilespmem:v9+s10+$0x0], $0xffff;
	v9 =	vor.u32 $0xC, v2  }
0x5f: {  	v3 =	vadd.f32 v7, v3;
	vm0 =	veq.s32 v6, s15;
	v6 =	vld.idx.msk [tilespmem:v11+s1+$0x0], $0xffff  }
0x60: {  	v7 =	vnsel vm0, $0x0, v10;
	v10 =	vld.idx.msk [tilespmem:v11+s10+$0x0], $0xffff;
	v11 =	vor.u32 $0xD, v2  }
0x61: {  	v3 =	vadd.f32 v7, v3;
	vm0 =	veq.s32 v4, s15;
	v4 =	vld.idx.msk [tilespmem:v13+s1+$0x0], $0xffff  }
0x62: {  	v7 =	vnsel vm0, $0x0, v12;
	v12 =	vld.idx.msk [tilespmem:v13+s10+$0x0], $0xffff;
	v13 =	vor.u32 $0xE, v2  }
0x63: {  	v3 =	vadd.f32 v7, v3;
	vm0 =	veq.s32 v5, s15;
	v5 =	vld.idx.msk [tilespmem:v9+s1+$0x0], $0xffff  }
0x64: {  	v2 =	vor.u32 $0xF, v2;
	v7 =	vnsel vm0, $0x0, v8;
	v8 =	vld.idx.msk [tilespmem:v9+s10+$0x0], $0xffff  }
0x65: {  	v3 =	vadd.f32 v7, v3;
	vm0 =	veq.s32 v6, s15;
	v6 =	vld.idx.msk [tilespmem:v11+s1+$0x0], $0xffff  }
0x66: {  	v7 =	vnsel vm0, $0x0, v10;
	v9 =	vld.idx.msk [tilespmem:v11+s10+$0x0], $0xffff  }
0x67: {  	v3 =	vadd.f32 v7, v3;
	vm0 =	veq.s32 v4, s15;
	v4 =	vld.idx.msk [tilespmem:v13+s1+$0x0], $0xffff  }
0x68: {  	v7 =	vnsel vm0, $0x0, v12;
	v10 =	vld.idx.msk [tilespmem:v13+s10+$0x0], $0xffff  }
0x69: {  	v3 =	vadd.f32 v7, v3;
	vm0 =	veq.s32 v5, s15;
	v5 =	vld.idx.msk [tilespmem:v2+s1+$0x0], $0xffff  }
0x6a: {  	v7 =	vnsel vm0, $0x0, v8;
	v2 =	vld.idx.msk [tilespmem:v2+s10+$0x0], $0xffff  }
0x6b: {  	v3 =	vadd.f32 v7, v3;
	vm0 =	veq.s32 v6, s15  }
0x6c: {  	v6 =	vnsel vm0, $0x0, v9  }
0x6d: {  	v3 =	vadd.f32 v6, v3;
	vm0 =	veq.s32 v4, s15  }
0x6e: {  	v4 =	vnsel vm0, $0x0, v10  }
.Ltmp0:
0x6f: {  	v3 =	vadd.f32 v4, v3;
	vm0 =	veq.s32 v5, s15;
	(pc) =	sbr.rel @p0 .LBB2_2-.Ltmp0, $3  }
0x70: {  	v2 =	vnsel vm0, $0x0, v2  }
0x71: {  	v2 =	vadd.f32 v2, v3;
	_ =	sdelay $0x1  }
0x72: {  	[tilespmem:s14+$0x10000] =	vst v2;
	s14 =	sshra.s32 s16, $0x2;
	s16 =	sadd.s32 $0x40, s16  }
0x73: {  	_ =	sdelay $0x3  }
0x74: {  	v2 =	vld.idx.msk [tilespmem:v0+s14+$0x0 ss:$0x1], $0xffff;
	_ =	sdelay $0x4  }
0x75: {  	v2 =	vshll.u32 v2, $0x4;
	_ =	sdelay $0x1  }
0x76: {  	v3 =	vor.u32 $0x1, v2  }
0x77: {  	v4 =	vld.idx.msk [tilespmem:v1+s14+$0x0 ss:$0x1], $0xffff  }
0x78: {  	v5 =	vld [tilespmem:$0x10400];
	v6 =	vor.u32 $0x2, v2  }
0x79: {  	v7 =	vld.idx.msk [tilespmem:v2+s1+$0x0], $0xffff  }
0x7a: {  	v9 =	vor.u32 $0x3, v2;
	v8 =	vld.idx.msk [tilespmem:v2+s10+$0x0], $0xffff  }
0x7b: {  	v10 =	vld.idx.msk [tilespmem:v3+s1+$0x0], $0xffff  }
0x7c: {  	v11 =	vor.u32 $0x4, v2;
	v3 =	vld.idx.msk [tilespmem:v3+s10+$0x0], $0xffff  }
0x7d: {  	s15 =	sadd.s32 $0x1, s15;
	v12 =	vld.idx.msk [tilespmem:v6+s1+$0x0], $0xffff  }
0x7e: {  	v4 =	vadd.f32 v5, v4;
	v13 =	vor.u32 $0x5, v2;
	v6 =	vld.idx.msk [tilespmem:v6+s10+$0x0], $0xffff;
	vm0 =	veq.s32 v7, s15  }
0x7f: {  	v21 =	vld.idx.msk [tilespmem:v9+s1+$0x0], $0xffff;
	v7 =	vnsel vm0, $0x0, v8  }
0x80: {  	v23 =	vor.u32 $0x6, v2;
	v22 =	vld.idx.msk [tilespmem:v9+s10+$0x0], $0xffff;
	vm13 =	veq.s32 v10, s15;
	v4 =	vadd.f32 v7, v4  }
0x81: {  	v24 =	vld.idx.msk [tilespmem:v11+s1+$0x0], $0xffff;
	v3 =	vnsel vm13, $0x0, v3  }
0x82: {  	v26 =	vor.u32 $0x7, v2;
	v25 =	vld.idx.msk [tilespmem:v11+s10+$0x0], $0xffff;
	vm14 =	veq.s32 v12, s15;
	v3 =	vadd.f32 v3, v4  }
0x83: {  	v27 =	vld.idx.msk [tilespmem:v13+s1+$0x0], $0xffff;
	v6 =	vnsel vm14, $0x0, v6  }
0x84: {  	v29 =	vor.u32 $0x8, v2;
	v28 =	vld.idx.msk [tilespmem:v13+s10+$0x0], $0xffff;
	vm15 =	veq.s32 v21, s15;
	v3 =	vadd.f32 v6, v3  }
0x85: {  	v30 =	vld.idx.msk [tilespmem:v23+s1+$0x0], $0xffff;
	v31 =	vnsel vm15, $0x0, v22  }
0x86: {  	v33 =	vor.u32 $0x9, v2;
	v32 =	vld.idx.msk [tilespmem:v23+s10+$0x0], $0xffff;
	vm4 =	veq.s32 v24, s15;
	v3 =	vadd.f32 v31, v3  }
0x87: {  	v34 =	vld.idx.msk [tilespmem:v26+s1+$0x0], $0xffff;
	v7 =	vnsel vm4, $0x0, v25  }
0x88: {  	v36 =	vor.u32 $0xA, v2;
	v35 =	vld.idx.msk [tilespmem:v26+s10+$0x0], $0xffff;
	vm5 =	veq.s32 v27, s15;
	v3 =	vadd.f32 v7, v3  }
0x89: {  	v37 =	vld.idx.msk [tilespmem:v29+s1+$0x0], $0xffff;
	v38 =	vnsel vm5, $0x0, v28  }
0x8a: {  	v40 =	vor.u32 $0xB, v2;
	v39 =	vld.idx.msk [tilespmem:v29+s10+$0x0], $0xffff;
	vm6 =	veq.s32 v30, s15;
	v3 =	vadd.f32 v38, v3  }
0x8b: {  	v41 =	vld.idx.msk [tilespmem:v33+s1+$0x0], $0xffff;
	v42 =	vnsel vm6, $0x0, v32  }
0x8c: {  	v44 =	vor.u32 $0xC, v2;
	v43 =	vld.idx.msk [tilespmem:v33+s10+$0x0], $0xffff;
	vm7 =	veq.s32 v34, s15;
	v3 =	vadd.f32 v42, v3  }
0x8d: {  	v45 =	vld.idx.msk [tilespmem:v36+s1+$0x0], $0xffff;
	v46 =	vnsel vm7, $0x0, v35  }
0x8e: {  	v48 =	vor.u32 $0xD, v2;
	v47 =	vld.idx.msk [tilespmem:v36+s10+$0x0], $0xffff;
	vm8 =	veq.s32 v37, s15;
	v3 =	vadd.f32 v46, v3  }
0x8f: {  	v49 =	vld.idx.msk [tilespmem:v40+s1+$0x0], $0xffff;
	v50 =	vnsel vm8, $0x0, v39  }
0x90: {  	v52 =	vor.u32 $0xE, v2;
	v51 =	vld.idx.msk [tilespmem:v40+s10+$0x0], $0xffff;
	vm9 =	veq.s32 v41, s15;
	v3 =	vadd.f32 v50, v3  }
0x91: {  	v53 =	vld.idx.msk [tilespmem:v44+s1+$0x0], $0xffff;
	v54 =	vnsel vm9, $0x0, v43  }
0x92: {  	v2 =	vor.u32 $0xF, v2;
	v55 =	vld.idx.msk [tilespmem:v44+s10+$0x0], $0xffff;
	vm10 =	veq.s32 v45, s15;
	v3 =	vadd.f32 v54, v3  }
0x93: {  	v56 =	vld.idx.msk [tilespmem:v48+s1+$0x0], $0xffff;
	v57 =	vnsel vm10, $0x0, v47  }
0x94: {  	v58 =	vld.idx.msk [tilespmem:v48+s10+$0x0], $0xffff;
	vm11 =	veq.s32 v49, s15;
	v3 =	vadd.f32 v57, v3  }
0x95: {  	v59 =	vld.idx.msk [tilespmem:v52+s1+$0x0], $0xffff;
	v60 =	vnsel vm11, $0x0, v51  }
0x96: {  	v61 =	vld.idx.msk [tilespmem:v52+s10+$0x0], $0xffff;
	vm12 =	veq.s32 v53, s15;
	v3 =	vadd.f32 v60, v3  }
0x97: {  	v62 =	vld.idx.msk [tilespmem:v2+s1+$0x0], $0xffff;
	v63 =	vnsel vm12, $0x0, v55  }
0x98: {  	v2 =	vld.idx.msk [tilespmem:v2+s10+$0x0], $0xffff;
	vm13 =	veq.s32 v56, s15;
	v3 =	vadd.f32 v63, v3  }
0x99: {  	v6 =	vnsel vm13, $0x0, v58  }
0x9a: {  	vm14 =	veq.s32 v59, s15;
	v3 =	vadd.f32 v6, v3  }
0x9b: {  	v4 =	vnsel vm14, $0x0, v61  }
0x9c: {  	vm15 =	veq.s32 v62, s15;
	v3 =	vadd.f32 v4, v3  }
0x9d: {  	v2 =	vnsel vm15, $0x0, v2  }
0x9e: {  	s13 =	sadd.s32 $0x1, s13;
	v2 =	vadd.f32 v2, v3  }
0x9f: {  	p0 =	sne.s32 s13, s7  }
.Ltmp1:
0xa0: {  	[tilespmem:s14+$0x10000] =	vst v2;
	(pc) =	sbr.rel @p0 .LBB2_1-.Ltmp1, $4  }
0xa1: {  	[hbm4b:s6+s1] =	stream.linear.scatter [tilespmem:s12], [sflag:$0x1], $0x400, $0x38;
	[tilespmem:$0x10480] =	vst v63  }
0xa2: {  	_ =	swait.ge [sflag:s9], $0x400  }
0xa3: {  	[sflag:s9] =	ssyncset.done $0x0  }
0xa4: {  	[sflag:s9] =	ssyncadd.s32 $0xFFFFFC00  }
0xa5: {  	_ =	sfence.sel $0x180000  }
0xa6: {  	[bflag:$0x0] =	sbarrier.arrive $0xFFFF  }
0xa7: {  	p0 =	sne.s32 s2, $0x0;
	_ =	strace $0x90000047  }
0xa8: {  	s0 =	sadd.s32 @!p0 $0x100000, s0;
	[bflag:$0x2] =	sbarrier.arrive $0xFFFF  }
0xa9: {  	[sflag:s0] =	ssyncadd.tile.s32 @!p0 $0x1;
	_ =	shalt  }
.Lfunc_end2:
_tile_overlayer_lowered:
.L_overlay_start_2:
0xaa: {  	(tag) =	ssettag $0x2  }
0xab: {  	s0 =	rddreg [dreg:$0x0];
	s2 =	stileid.u32  }
0xac: {  	s1 =	rddreg [dreg:$0x1];
	p0 =	sne.s32 s2, $0x0  }
0xad: {  	s3 =	rddreg [dreg:$0x2];
	[bflag:$0x3] =	sbarrier.arrive $0xFFFF;
	s2 =	simm.s32 @!p0 $0x1C01  }
0xae: {  	[timem:s3], [sflag:s2] =	dma.local @!p0 [hbm:s0], s1  }
0xaf: {  	s0 =	simm.s32 @!p0 $0x1  }
0xb0: {  	_ =	swait.ge @!p0 [sflag:s0], s1  }
0xb1: {  	s1 =	ssub.s32 @!p0 $0x0, s1;
	[sflag:s0] =	ssyncset.done @!p0 $0x0  }
0xb2: {  	[sflag:s0] =	ssyncadd.s32 @!p0 s1  }
0xb3: {  	[bflag:$0x3] =	sbarrier.arrive $0xFFFF  }
0xb4: {  	_ =	shalt  }

</sc_bundles>
